<compile_context>
chip_gen: v7x
topology: tpu7x:2x2x1
jax: 0.10.2.dev20260603
libtpu: 0.0.44.dev20260713+nightly
codegen_flags: <defaults>
</compile_context>

<pallas_src>
import dataclasses

import jax
import jax.numpy as jnp
from jax import lax
from jax.experimental import pallas as pl
from jax.experimental.pallas import tpu as pltpu
from jax.experimental.pallas import tpu_sc as plsc

_FFT = 2048
_S = 256
_B = 8
_ACT = _FFT - 1
_SYM_BYTES = 2 * _ACT
_ROW_WORDS = _S * _SYM_BYTES
_SHARE = _ROW_WORDS // 32
_WIN = 33024


def _demap_body(x_hbm, o_hbm, buf_a, buf_b, stage, sem_a, sem_b, sem_o):
    cc = lax.axis_index("s") * 2 + lax.axis_index("c")
    iota = lax.iota(jnp.int32, 16)
    o32 = o_hbm.bitcast(jnp.int32)

    w0 = pl.multiple_of(
        jnp.minimum((cc * _SHARE) // 128 * 128, _ROW_WORDS - _WIN), 128
    )
    s_lo = w0 // _SYM_BYTES
    s_hi = jnp.minimum((w0 + _WIN + _SYM_BYTES - 1) // _SYM_BYTES, _S)
    hs_lo = 2 * s_lo
    n = 2 * (s_hi - s_lo)
    rows0 = iota * 0
    rows1 = iota * 0 + 1
    half = _FFT // 2

    def copy_for(i, buf, sem):
        hs = hs_lo + jnp.minimum(i, n - 1)
        return pltpu.make_async_copy(
            x_hbm.at[:, :, pl.ds(hs * half, half)], buf, sem
        )

    def compute(i, buf):
        hs = hs_lo + i
        s = hs >> 1
        h = hs & 1

        @pl.loop(0, half // 16)
        def _vec(j):
            t = h * half + j * 16 + iota
            col = jnp.minimum(t - (half - 1) * h, half - 1)
            off_re = s * _SYM_BYTES + 2 * t - w0
            mask = (t < _ACT) & (off_re >= 0) & (off_re < _WIN)
            for r2, row in ((0, rows0), (1, rows1)):
                w_re = jnp.zeros((16,), jnp.int32)
                w_im = jnp.zeros((16,), jnp.int32)
                for k in range(4):
                    b = 4 * r2 + k
                    re_v = plsc.load_gather(buf, [rows0 + b, rows0, col])
                    im_v = plsc.load_gather(buf, [rows0 + b, rows1, col])
                    w_re = w_re | jnp.where(re_v > 0, 1 << (8 * k), 0)
                    w_im = w_im | jnp.where(im_v > 0, 1 << (8 * k), 0)
                plsc.store_scatter(stage, [row, off_re], w_re, mask=mask)
                plsc.store_scatter(stage, [row, off_re + 1], w_im, mask=mask)

    copy_for(0, buf_a, sem_a).start()

    @pl.loop(0, n // 2)
    def _group(g):
        for par, buf, sem, nbuf, nsem in (
            (0, buf_a, sem_a, buf_b, sem_b),
            (1, buf_b, sem_b, buf_a, sem_a),
        ):
            i = 2 * g + par

            @pl.when(i + 1 < n)
            def _prefetch():
                copy_for(i + 1, nbuf, nsem).start()

            copy_for(i, buf, sem).wait()
            compute(i, buf)

    pltpu.async_copy(
        stage.at[:, :],
        o32.at[:, pl.ds(w0, _WIN)],
        sem_o,
    ).wait()


def kernel(ofdm_map):
    B, _, S, F = ofdm_map.shape
    assert (B, S, F) == (_B, _S, _FFT)
    mesh = plsc.VectorSubcoreMesh(core_axis_name="c", subcore_axis_name="s")
    cp = pltpu.CompilerParams()
    if "needs_layout_passes" in pltpu.CompilerParams.__dataclass_fields__:
        cp = dataclasses.replace(cp, needs_layout_passes=False)
    f = pl.kernel(
        _demap_body,
        out_type=jax.ShapeDtypeStruct((B, S * _SYM_BYTES), jnp.int8),
        mesh=mesh,
        scratch_types=[
            pltpu.VMEM((_B, 2, _FFT // 2), jnp.float32),
            pltpu.VMEM((_B, 2, _FFT // 2), jnp.float32),
            pltpu.VMEM((2, _WIN), jnp.int32),
            pltpu.SemaphoreType.DMA,
            pltpu.SemaphoreType.DMA,
            pltpu.SemaphoreType.DMA,
        ],
        compiler_params=cp,
    )
    return f(ofdm_map.reshape(B, 2, S * F))

# --- scband reference (transcript-rebuilt; emitter-appended) ---
"""Pipeline reference for scband-ofdmsymbol-decoder-51805895524456 (READ-ONLY COPY).

The authoritative reference and input builder live on the scoring server;
editing this copy changes nothing except your own understanding.
"""

import jax, jax.numpy as jnp
import numpy as np
import math

FFT_SIZE = 2048


def _active_subcarriers():
    # guard_bands = [0, 0]; dc_null = True; num_subcarriers = fft_size - 1
    idx = np.arange(FFT_SIZE)
    dc = FFT_SIZE // 2
    idx = np.concatenate([idx[:dc], idx[dc + 1:]])
    # len(idx) == num_subcarriers (2047), so no centering trim needed
    return jnp.asarray(idx, dtype=jnp.int32)


# QPSK constellation (default modulation='qpsk')
QPSK_RE = jnp.asarray(np.array([-1.0, -1.0, 1.0, 1.0], dtype=np.float32) / math.sqrt(2))
QPSK_IM = jnp.asarray(np.array([-1.0, 1.0, -1.0, 1.0], dtype=np.float32) / math.sqrt(2))
QPSK_BITS = jnp.asarray(np.array([[0, 0], [0, 1], [1, 0], [1, 1]], dtype=np.int8))
BITS_PER_SYMBOL = 2


def setup_inputs(seed: int = 0) -> dict:
    key = jax.random.key(seed)
    ofdm_map = jax.random.normal(key, (8, 2, 256, FFT_SIZE), dtype=jnp.float32)
    return {"ofdm_map": ofdm_map}


def reference(ofdm_map):
    # ofdm_map: [B, 2, num_symbols, fft_size] (real/imag stacked on dim 1)
    B = ofdm_map.shape[0]
    re = ofdm_map[:, 0]  # [B, S, fft]
    im = ofdm_map[:, 1]
    act = _active_subcarriers()
    re_s = jnp.take(re, act, axis=-1)  # [B, S, 2047]
    im_s = jnp.take(im, act, axis=-1)
    # flatten all symbols and demap to nearest constellation point
    re_f = re_s.reshape(-1)
    im_f = im_s.reshape(-1)
    # |z - c| argmin == argmin of squared distance
    d2 = (re_f[:, None] - QPSK_RE[None, :]) ** 2 + (im_f[:, None] - QPSK_IM[None, :]) ** 2
    idx = jnp.argmin(d2, axis=1)
    bits_flat = jnp.take(QPSK_BITS, idx, axis=0)  # [N, bits_per_symbol] int8
    # final shape: [B, num_symbols * num_active_subcarriers * bits_per_symbol]
    return bits_flat.reshape(B, -1)

if __name__ == "__main__":
    import jax
    _d = setup_inputs()
    print(jax.jit(kernel)(*tuple(_d.values())))

</pallas_src>

<mosaic_0001>
#map = affine_map<(d0, d1) -> (0, 0, 0)>
#map1 = affine_map<(d0, d1) -> (0, 0)>
module attributes {stable_mosaic.version = 14 : i64} {
  func.func @_demap_body(%arg0: i32, %arg1: i32, %arg2: memref<8x2x524288xf32, #tpu.memory_space<hbm>>, %arg3: memref<8x1048064xi8, #tpu.memory_space<hbm>>, %arg4: memref<8x2x1024xf32, #tpu.memory_space<vmem>>, %arg5: memref<8x2x1024xf32, #tpu.memory_space<vmem>>, %arg6: memref<2x33024xi32, #tpu.memory_space<vmem>>, %arg7: memref<!tpu.dma_semaphore, #tpu.memory_space<semaphore_mem>>, %arg8: memref<!tpu.dma_semaphore, #tpu.memory_space<semaphore_mem>>, %arg9: memref<!tpu.dma_semaphore, #tpu.memory_space<semaphore_mem>>) attributes {dimension_semantics = [#tpu.dimension_semantics<core_parallel>, #tpu.dimension_semantics<subcore_parallel>], iteration_bounds = array<i64: 2, 16>, scalar_prefetch = 0 : i64, scratch_operands = 6 : i64, tpu.core_type = #tpu.core_type<sc_vector_subcore>, window_params = [{transform_indices = #map}, {transform_indices = #map1}]} {
    %mul3A = arith.constant 2 : i32
    %mul3A_0 = arith.muli %arg1, %mul3A : i32
    %add3A = arith.addi %mul3A_0, %arg0 : i32
    %iota3A = tpu.iota {dimensions = array<i32: 0>} : vector<16xi32>
    %mul3A_1 = arith.constant 32752 : i32
    %mul3A_2 = arith.muli %add3A, %mul3A_1 : i32
    %jit3A = arith.constant 128 : i32
    %div3A = arith.divsi %mul3A_2, %jit3A : i32
    %sign3A = arith.constant 0 : i32
    %sign3A_3 = arith.cmpi sgt, %mul3A_2, %sign3A : i32
    %sign3A_4 = arith.extui %sign3A_3 : i1 to i32
    %sign3A_5 = arith.constant 0 : i32
    %sign3A_6 = arith.cmpi slt, %mul3A_2, %sign3A_5 : i32
    %sign3A_7 = arith.extui %sign3A_6 : i1 to i32
    %sign3A_8 = arith.subi %sign3A_4, %sign3A_7 : i32
    %sign3A_9 = arith.constant 0 : i32
    %sign3A_10 = arith.cmpi sgt, %jit3A, %sign3A_9 : i32
    %sign3A_11 = arith.extui %sign3A_10 : i1 to i32
    %sign3A_12 = arith.constant 0 : i32
    %sign3A_13 = arith.cmpi slt, %jit3A, %sign3A_12 : i32
    %sign3A_14 = arith.extui %sign3A_13 : i1 to i32
    %sign3A_15 = arith.subi %sign3A_11, %sign3A_14 : i32
    %ne3A = arith.cmpi ne, %sign3A_8, %sign3A_15 : i32
    %rem3A = arith.remsi %mul3A_2, %jit3A : i32
    %ne3A_16 = arith.constant 0 : i32
    %ne3A_17 = arith.cmpi ne, %rem3A, %ne3A_16 : i32
    %and3A = arith.andi %ne3A, %ne3A_17 : i1
    %sub3A = arith.constant 1 : i32
    %sub3A_18 = arith.subi %div3A, %sub3A : i32
    %select_n3A = arith.select %and3A, %sub3A_18, %div3A : i32
    %mul3A_19 = arith.constant 128 : i32
    %mul3A_20 = arith.muli %select_n3A, %mul3A_19 : i32
    %min3A = arith.constant 1015040 : i32
    %min3A_21 = arith.minsi %mul3A_20, %min3A : i32
    %multiple_of3A = tpu.assume_multiple %min3A_21, 128 : i32
    %jit3A_22 = arith.constant 4094 : i32
    %div3A_23 = arith.divsi %multiple_of3A, %jit3A_22 : i32
    %sign3A_24 = arith.constant 0 : i32
    %sign3A_25 = arith.cmpi sgt, %multiple_of3A, %sign3A_24 : i32
    %sign3A_26 = arith.extui %sign3A_25 : i1 to i32
    %sign3A_27 = arith.constant 0 : i32
    %sign3A_28 = arith.cmpi slt, %multiple_of3A, %sign3A_27 : i32
    %sign3A_29 = arith.extui %sign3A_28 : i1 to i32
    %sign3A_30 = arith.subi %sign3A_26, %sign3A_29 : i32
    %sign3A_31 = arith.constant 0 : i32
    %sign3A_32 = arith.cmpi sgt, %jit3A_22, %sign3A_31 : i32
    %sign3A_33 = arith.extui %sign3A_32 : i1 to i32
    %sign3A_34 = arith.constant 0 : i32
    %sign3A_35 = arith.cmpi slt, %jit3A_22, %sign3A_34 : i32
    %sign3A_36 = arith.extui %sign3A_35 : i1 to i32
    %sign3A_37 = arith.subi %sign3A_33, %sign3A_36 : i32
    %ne3A_38 = arith.cmpi ne, %sign3A_30, %sign3A_37 : i32
    %rem3A_39 = arith.remsi %multiple_of3A, %jit3A_22 : i32
    %ne3A_40 = arith.constant 0 : i32
    %ne3A_41 = arith.cmpi ne, %rem3A_39, %ne3A_40 : i32
    %and3A_42 = arith.andi %ne3A_38, %ne3A_41 : i1
    %sub3A_43 = arith.constant 1 : i32
    %sub3A_44 = arith.subi %div3A_23, %sub3A_43 : i32
    %select_n3A_45 = arith.select %and3A_42, %sub3A_44, %div3A_23 : i32
    %add3A_46 = arith.constant 33024 : i32
    %add3A_47 = arith.addi %multiple_of3A, %add3A_46 : i32
    %add3A_48 = arith.constant 4094 : i32
    %add3A_49 = arith.addi %add3A_47, %add3A_48 : i32
    %sub3A_50 = arith.constant 1 : i32
    %sub3A_51 = arith.subi %add3A_49, %sub3A_50 : i32
    %jit3A_52 = arith.constant 4094 : i32
    %div3A_53 = arith.divsi %sub3A_51, %jit3A_52 : i32
    %sign3A_54 = arith.constant 0 : i32
    %sign3A_55 = arith.cmpi sgt, %sub3A_51, %sign3A_54 : i32
    %sign3A_56 = arith.extui %sign3A_55 : i1 to i32
    %sign3A_57 = arith.constant 0 : i32
    %sign3A_58 = arith.cmpi slt, %sub3A_51, %sign3A_57 : i32
    %sign3A_59 = arith.extui %sign3A_58 : i1 to i32
    %sign3A_60 = arith.subi %sign3A_56, %sign3A_59 : i32
    %sign3A_61 = arith.constant 0 : i32
    %sign3A_62 = arith.cmpi sgt, %jit3A_52, %sign3A_61 : i32
    %sign3A_63 = arith.extui %sign3A_62 : i1 to i32
    %sign3A_64 = arith.constant 0 : i32
    %sign3A_65 = arith.cmpi slt, %jit3A_52, %sign3A_64 : i32
    %sign3A_66 = arith.extui %sign3A_65 : i1 to i32
    %sign3A_67 = arith.subi %sign3A_63, %sign3A_66 : i32
    %ne3A_68 = arith.cmpi ne, %sign3A_60, %sign3A_67 : i32
    %rem3A_69 = arith.remsi %sub3A_51, %jit3A_52 : i32
    %ne3A_70 = arith.constant 0 : i32
    %ne3A_71 = arith.cmpi ne, %rem3A_69, %ne3A_70 : i32
    %and3A_72 = arith.andi %ne3A_68, %ne3A_71 : i1
    %sub3A_73 = arith.constant 1 : i32
    %sub3A_74 = arith.subi %div3A_53, %sub3A_73 : i32
    %select_n3A_75 = arith.select %and3A_72, %sub3A_74, %div3A_53 : i32
    %min3A_76 = arith.constant 256 : i32
    %min3A_77 = arith.minsi %select_n3A_75, %min3A_76 : i32
    %mul3A_78 = arith.constant 2 : i32
    %mul3A_79 = arith.muli %mul3A_78, %select_n3A_45 : i32
    %sub3A_80 = arith.subi %min3A_77, %select_n3A_45 : i32
    %mul3A_81 = arith.constant 2 : i32
    %mul3A_82 = arith.muli %mul3A_81, %sub3A_80 : i32
    %mul3A_83 = arith.constant 0 : i32
    %mul3A_84 = vector.broadcast %mul3A_83 : i32 to vector<16xi32>
    %mul3A_85 = arith.muli %iota3A, %mul3A_84 : vector<16xi32>
    %mul3A_86 = arith.constant 0 : i32
    %mul3A_87 = vector.broadcast %mul3A_86 : i32 to vector<16xi32>
    %mul3A_88 = arith.muli %iota3A, %mul3A_87 : vector<16xi32>
    %add3A_89 = arith.constant 1 : i32
    %add3A_90 = vector.broadcast %add3A_89 : i32 to vector<16xi32>
    %add3A_91 = arith.addi %mul3A_88, %add3A_90 : vector<16xi32>
    %sub3A_92 = arith.constant 1 : i32
    %sub3A_93 = arith.subi %mul3A_82, %sub3A_92 : i32
    %min3A_94 = arith.constant 0 : i32
    %min3A_95 = arith.minsi %min3A_94, %sub3A_93 : i32
    %add3A_96 = arith.addi %mul3A_79, %min3A_95 : i32
    %mul3A_97 = arith.constant 1024 : i32
    %mul3A_98 = arith.muli %add3A_96, %mul3A_97 : i32
    %dma_start3A = arith.constant 0 : i32
    %dma_start3A_99 = arith.constant 0 : i32
    %dma_start3A_100 = tpu.memref_slice %arg2[%dma_start3A, %dma_start3A_99, %mul3A_98] : memref<8x2x524288xf32, #tpu.memory_space<hbm>> -> memref<8x2x1024xf32, #tpu.memory_space<hbm>>
    %dma_start3A_101 = arith.constant 0 : i32
    %dma_start3A_102 = arith.constant 0 : i32
    %dma_start3A_103 = tpu.memref_slice %arg2[%dma_start3A_101, %dma_start3A_102, %mul3A_98] : memref<8x2x524288xf32, #tpu.memory_space<hbm>> -> memref<8x2x1024xf32, #tpu.memory_space<hbm>>
    tpu.enqueue_dma source(%dma_start3A_103 : memref<8x2x1024xf32, #tpu.memory_space<hbm>>) target(%arg4 : memref<8x2x1024xf32, #tpu.memory_space<vmem>>) target_semaphore(%arg7 : memref<!tpu.dma_semaphore, #tpu.memory_space<semaphore_mem>>)
    %jit3A_104 = arith.constant 2 : i32
    %div3A_105 = arith.divsi %mul3A_82, %jit3A_104 : i32
    %sign3A_106 = arith.constant 0 : i32
    %sign3A_107 = arith.cmpi sgt, %mul3A_82, %sign3A_106 : i32
    %sign3A_108 = arith.extui %sign3A_107 : i1 to i32
    %sign3A_109 = arith.constant 0 : i32
    %sign3A_110 = arith.cmpi slt, %mul3A_82, %sign3A_109 : i32
    %sign3A_111 = arith.extui %sign3A_110 : i1 to i32
    %sign3A_112 = arith.subi %sign3A_108, %sign3A_111 : i32
    %sign3A_113 = arith.constant 0 : i32
    %sign3A_114 = arith.cmpi sgt, %jit3A_104, %sign3A_113 : i32
    %sign3A_115 = arith.extui %sign3A_114 : i1 to i32
    %sign3A_116 = arith.constant 0 : i32
    %sign3A_117 = arith.cmpi slt, %jit3A_104, %sign3A_116 : i32
    %sign3A_118 = arith.extui %sign3A_117 : i1 to i32
    %sign3A_119 = arith.subi %sign3A_115, %sign3A_118 : i32
    %ne3A_120 = arith.cmpi ne, %sign3A_112, %sign3A_119 : i32
    %rem3A_121 = arith.remsi %mul3A_82, %jit3A_104 : i32
    %ne3A_122 = arith.constant 0 : i32
    %ne3A_123 = arith.cmpi ne, %rem3A_121, %ne3A_122 : i32
    %and3A_124 = arith.andi %ne3A_120, %ne3A_123 : i1
    %sub3A_125 = arith.constant 1 : i32
    %sub3A_126 = arith.subi %div3A_105, %sub3A_125 : i32
    %select_n3A_127 = arith.select %and3A_124, %sub3A_126, %div3A_105 : i32
    %sub3A_128 = arith.constant 0 : i32
    %sub3A_129 = arith.subi %select_n3A_127, %sub3A_128 : i32
    %sub3A_130 = arith.constant 1 : i32
    %sub3A_131 = arith.constant 1 : i32
    %sub3A_132 = arith.subi %sub3A_130, %sub3A_131 : i32
    %add3A_133 = arith.addi %sub3A_129, %sub3A_132 : i32
    %div3A_134 = arith.constant 1 : i32
    %div3A_135 = arith.divsi %add3A_133, %div3A_134 : i32
    %while3A = arith.constant 1 : i32
    %while3A_136 = arith.constant 0 : i32
    %while3A_137 = arith.constant 0 : i32
    %while3A_138 = arith.subi %div3A_135, %while3A_137 : i32
    %while3A_139 = arith.addi %while3A_137, %while3A_138 : i32
    %while3A_140 = arith.constant 1 : i32
    %while3A_141 = arith.divsi %while3A_138, %while3A_140 : i32
    %while3A_142 = arith.muli %while3A_141, %while3A_140 : i32
    %while3A_143 = arith.addi %while3A_137, %while3A_142 : i32
    %while3A_144 = arith.constant 1 : i32
    scf.for %while3A_169 = %while3A_137 to %while3A_143 step %while3A_144  : i32 {
      %mul3A_170 = arith.muli %while3A_169, %while3A : i32
      %add3A_171 = arith.addi %while3A_136, %mul3A_170 : i32
      %mul3A_172 = arith.constant 2 : i32
      %mul3A_173 = arith.muli %mul3A_172, %add3A_171 : i32
      %add3A_174 = arith.constant 0 : i32
      %add3A_175 = arith.addi %mul3A_173, %add3A_174 : i32
      %add3A_176 = arith.constant 1 : i32
      %add3A_177 = arith.addi %add3A_175, %add3A_176 : i32
      %lt3A = arith.cmpi slt, %add3A_177, %mul3A_82 : i32
      %convert_element_type3A = arith.extui %lt3A : i1 to i32
      %cond3A = arith.constant 0 : i32
      %cond3A_178 = arith.cmpi ne, %convert_element_type3A, %cond3A : i32
      scf.if %cond3A_178 {
        %add3A_231 = arith.constant 1 : i32
        %add3A_232 = arith.addi %add3A_175, %add3A_231 : i32
        %sub3A_233 = arith.constant 1 : i32
        %sub3A_234 = arith.subi %mul3A_82, %sub3A_233 : i32
        %min3A_235 = arith.minsi %add3A_232, %sub3A_234 : i32
        %add3A_236 = arith.addi %mul3A_79, %min3A_235 : i32
        %mul3A_237 = arith.constant 1024 : i32
        %mul3A_238 = arith.muli %add3A_236, %mul3A_237 : i32
        %dma_start3A_239 = arith.constant 0 : i32
        %dma_start3A_240 = arith.constant 0 : i32
        %dma_start3A_241 = tpu.memref_slice %arg2[%dma_start3A_239, %dma_start3A_240, %mul3A_238] : memref<8x2x524288xf32, #tpu.memory_space<hbm>> -> memref<8x2x1024xf32, #tpu.memory_space<hbm>>
        %dma_start3A_242 = arith.constant 0 : i32
        %dma_start3A_243 = arith.constant 0 : i32
        %dma_start3A_244 = tpu.memref_slice %arg2[%dma_start3A_242, %dma_start3A_243, %mul3A_238] : memref<8x2x524288xf32, #tpu.memory_space<hbm>> -> memref<8x2x1024xf32, #tpu.memory_space<hbm>>
        tpu.enqueue_dma source(%dma_start3A_244 : memref<8x2x1024xf32, #tpu.memory_space<hbm>>) target(%arg5 : memref<8x2x1024xf32, #tpu.memory_space<vmem>>) target_semaphore(%arg8 : memref<!tpu.dma_semaphore, #tpu.memory_space<semaphore_mem>>)
      } else {
      }
      %sub3A_179 = arith.constant 1 : i32
      %sub3A_180 = arith.subi %mul3A_82, %sub3A_179 : i32
      %min3A_181 = arith.minsi %add3A_175, %sub3A_180 : i32
      %add3A_182 = arith.addi %mul3A_79, %min3A_181 : i32
      %mul3A_183 = arith.constant 1024 : i32
      %mul3A_184 = arith.muli %add3A_182, %mul3A_183 : i32
      %dma_wait3A_185 = arith.constant 0 : i32
      %dma_wait3A_186 = arith.constant 0 : i32
      %dma_wait3A_187 = tpu.memref_slice %arg2[%dma_wait3A_185, %dma_wait3A_186, %mul3A_184] : memref<8x2x524288xf32, #tpu.memory_space<hbm>> -> memref<8x2x1024xf32, #tpu.memory_space<hbm>>
      %dma_wait3A_188 = arith.constant 0 : i32
      %dma_wait3A_189 = arith.constant 0 : i32
      %dma_wait3A_190 = tpu.memref_slice %arg2[%dma_wait3A_188, %dma_wait3A_189, %mul3A_184] : memref<8x2x524288xf32, #tpu.memory_space<hbm>> -> memref<8x2x1024xf32, #tpu.memory_space<hbm>>
      tpu.wait_dma2 semaphore(%arg7 : memref<!tpu.dma_semaphore, #tpu.memory_space<semaphore_mem>>) src(%dma_wait3A_190 : memref<8x2x1024xf32, #tpu.memory_space<hbm>>) dst(%arg4 : memref<8x2x1024xf32, #tpu.memory_space<vmem>>)
      %add3A_191 = arith.addi %mul3A_79, %add3A_175 : i32
      %shift_right_arithmetic3A = arith.constant 1 : i32
      %shift_right_arithmetic3A_192 = arith.shrsi %add3A_191, %shift_right_arithmetic3A : i32
      %and3A_193 = arith.constant 1 : i32
      %and3A_194 = arith.andi %add3A_191, %and3A_193 : i32
      %scan3A = arith.constant 0 : i32
      %scan3A_195 = arith.constant 64 : i32
      %scan3A_196 = arith.addi %scan3A, %scan3A_195 : i32
      %scan3A_197 = arith.constant 1 : i32
      scf.for %scan3A_231 = %scan3A to %scan3A_196 step %scan3A_197  : i32 {
        %mul3A_232 = arith.constant 1 : i32
        %mul3A_233 = arith.muli %scan3A_231, %mul3A_232 : i32
        %add3A_234 = arith.constant 0 : i32
        %add3A_235 = arith.addi %add3A_234, %mul3A_233 : i32
        %mul3A_236 = arith.constant 1024 : i32
        %mul3A_237 = arith.muli %and3A_194, %mul3A_236 : i32
        %mul3A_238 = arith.constant 16 : i32
        %mul3A_239 = arith.muli %add3A_235, %mul3A_238 : i32
        %add3A_240 = arith.addi %mul3A_237, %mul3A_239 : i32
        %add3A_241 = vector.broadcast %add3A_240 : i32 to vector<16xi32>
        %add3A_242 = arith.addi %add3A_241, %iota3A : vector<16xi32>
        %mul3A_243 = arith.constant 1023 : i32
        %mul3A_244 = arith.muli %mul3A_243, %and3A_194 : i32
        %sub3A_245 = vector.broadcast %mul3A_244 : i32 to vector<16xi32>
        %sub3A_246 = arith.subi %add3A_242, %sub3A_245 : vector<16xi32>
        %min3A_247 = arith.constant 1023 : i32
        %min3A_248 = vector.broadcast %min3A_247 : i32 to vector<16xi32>
        %min3A_249 = arith.minsi %sub3A_246, %min3A_248 : vector<16xi32>
        %mul3A_250 = arith.constant 4094 : i32
        %mul3A_251 = arith.muli %shift_right_arithmetic3A_192, %mul3A_250 : i32
        %mul3A_252 = arith.constant 2 : i32
        %mul3A_253 = vector.broadcast %mul3A_252 : i32 to vector<16xi32>
        %mul3A_254 = arith.muli %mul3A_253, %add3A_242 : vector<16xi32>
        %add3A_255 = vector.broadcast %mul3A_251 : i32 to vector<16xi32>
        %add3A_256 = arith.addi %add3A_255, %mul3A_254 : vector<16xi32>
        %sub3A_257 = vector.broadcast %multiple_of3A : i32 to vector<16xi32>
        %sub3A_258 = arith.subi %add3A_256, %sub3A_257 : vector<16xi32>
        %lt3A_259 = arith.constant 2047 : i32
        %lt3A_260 = vector.broadcast %lt3A_259 : i32 to vector<16xi32>
        %lt3A_261 = arith.cmpi slt, %add3A_242, %lt3A_260 : vector<16xi32>
        %ge3A = arith.constant 0 : i32
        %ge3A_262 = vector.broadcast %ge3A : i32 to vector<16xi32>
        %ge3A_263 = arith.cmpi sge, %sub3A_258, %ge3A_262 : vector<16xi32>
        %and3A_264 = arith.andi %lt3A_261, %ge3A_263 : vector<16xi1>
        %lt3A_265 = arith.constant 33024 : i32
        %lt3A_266 = vector.broadcast %lt3A_265 : i32 to vector<16xi32>
        %lt3A_267 = arith.cmpi slt, %sub3A_258, %lt3A_266 : vector<16xi32>
        %and3A_268 = arith.andi %and3A_264, %lt3A_267 : vector<16xi1>
        %broadcast_in_dim3A = arith.constant 0 : i32
        %broadcast_in_dim3A_269 = vector.broadcast %broadcast_in_dim3A : i32 to vector<16xi32>
        %broadcast_in_dim3A_270 = arith.constant 0 : i32
        %broadcast_in_dim3A_271 = vector.broadcast %broadcast_in_dim3A_270 : i32 to vector<16xi32>
        %add3A_272 = arith.constant 0 : i32
        %add3A_273 = vector.broadcast %add3A_272 : i32 to vector<16xi32>
        %add3A_274 = arith.addi %mul3A_85, %add3A_273 : vector<16xi32>
        %gather3A = tpu.vector_load_idx %arg4[%add3A_274, %mul3A_85, %min3A_249] : memref<8x2x1024xf32, #tpu.memory_space<vmem>>[vector<16xi32>, vector<16xi32>, vector<16xi32>], vector<16xf32>,
        %add3A_275 = arith.constant 0 : i32
        %add3A_276 = vector.broadcast %add3A_275 : i32 to vector<16xi32>
        %add3A_277 = arith.addi %mul3A_85, %add3A_276 : vector<16xi32>
        %gather3A_278 = tpu.vector_load_idx %arg4[%add3A_277, %add3A_91, %min3A_249] : memref<8x2x1024xf32, #tpu.memory_space<vmem>>[vector<16xi32>, vector<16xi32>, vector<16xi32>], vector<16xf32>,
        %gt3A = arith.constant 0.000000e+00 : f32
        %gt3A_279 = vector.broadcast %gt3A : f32 to vector<16xf32>
        %gt3A_280 = arith.cmpf ogt, %gather3A, %gt3A_279 : vector<16xf32>
        %jit3A_281 = arith.constant 1 : i32
        %jit3A_282 = arith.constant 0 : i32
        %broadcast_in_dim3A_283 = vector.broadcast %jit3A_281 : i32 to vector<16xi32>
        %broadcast_in_dim3A_284 = vector.broadcast %jit3A_282 : i32 to vector<16xi32>
        %select_n3A_285 = arith.select %gt3A_280, %broadcast_in_dim3A_283, %broadcast_in_dim3A_284 : vector<16xi1>, vector<16xi32>
        %or3A = arith.ori %broadcast_in_dim3A_269, %select_n3A_285 : vector<16xi32>
        %gt3A_286 = arith.constant 0.000000e+00 : f32
        %gt3A_287 = vector.broadcast %gt3A_286 : f32 to vector<16xf32>
        %gt3A_288 = arith.cmpf ogt, %gather3A_278, %gt3A_287 : vector<16xf32>
        %jit3A_289 = arith.constant 1 : i32
        %jit3A_290 = arith.constant 0 : i32
        %broadcast_in_dim3A_291 = vector.broadcast %jit3A_289 : i32 to vector<16xi32>
        %broadcast_in_dim3A_292 = vector.broadcast %jit3A_290 : i32 to vector<16xi32>
        %select_n3A_293 = arith.select %gt3A_288, %broadcast_in_dim3A_291, %broadcast_in_dim3A_292 : vector<16xi1>, vector<16xi32>
        %or3A_294 = arith.ori %broadcast_in_dim3A_271, %select_n3A_293 : vector<16xi32>
        %add3A_295 = arith.constant 1 : i32
        %add3A_296 = vector.broadcast %add3A_295 : i32 to vector<16xi32>
        %add3A_297 = arith.addi %mul3A_85, %add3A_296 : vector<16xi32>
        %gather3A_298 = tpu.vector_load_idx %arg4[%add3A_297, %mul3A_85, %min3A_249] : memref<8x2x1024xf32, #tpu.memory_space<vmem>>[vector<16xi32>, vector<16xi32>, vector<16xi32>], vector<16xf32>,
        %add3A_299 = arith.constant 1 : i32
        %add3A_300 = vector.broadcast %add3A_299 : i32 to vector<16xi32>
        %add3A_301 = arith.addi %mul3A_85, %add3A_300 : vector<16xi32>
        %gather3A_302 = tpu.vector_load_idx %arg4[%add3A_301, %add3A_91, %min3A_249] : memref<8x2x1024xf32, #tpu.memory_space<vmem>>[vector<16xi32>, vector<16xi32>, vector<16xi32>], vector<16xf32>,
        %gt3A_303 = arith.constant 0.000000e+00 : f32
        %gt3A_304 = vector.broadcast %gt3A_303 : f32 to vector<16xf32>
        %gt3A_305 = arith.cmpf ogt, %gather3A_298, %gt3A_304 : vector<16xf32>
        %jit3A_306 = arith.constant 256 : i32
        %jit3A_307 = arith.constant 0 : i32
        %broadcast_in_dim3A_308 = vector.broadcast %jit3A_306 : i32 to vector<16xi32>
        %broadcast_in_dim3A_309 = vector.broadcast %jit3A_307 : i32 to vector<16xi32>
        %select_n3A_310 = arith.select %gt3A_305, %broadcast_in_dim3A_308, %broadcast_in_dim3A_309 : vector<16xi1>, vector<16xi32>
        %or3A_311 = arith.ori %or3A, %select_n3A_310 : vector<16xi32>
        %gt3A_312 = arith.constant 0.000000e+00 : f32
        %gt3A_313 = vector.broadcast %gt3A_312 : f32 to vector<16xf32>
        %gt3A_314 = arith.cmpf ogt, %gather3A_302, %gt3A_313 : vector<16xf32>
        %jit3A_315 = arith.constant 256 : i32
        %jit3A_316 = arith.constant 0 : i32
        %broadcast_in_dim3A_317 = vector.broadcast %jit3A_315 : i32 to vector<16xi32>
        %broadcast_in_dim3A_318 = vector.broadcast %jit3A_316 : i32 to vector<16xi32>
        %select_n3A_319 = arith.select %gt3A_314, %broadcast_in_dim3A_317, %broadcast_in_dim3A_318 : vector<16xi1>, vector<16xi32>
        %or3A_320 = arith.ori %or3A_294, %select_n3A_319 : vector<16xi32>
        %add3A_321 = arith.constant 2 : i32
        %add3A_322 = vector.broadcast %add3A_321 : i32 to vector<16xi32>
        %add3A_323 = arith.addi %mul3A_85, %add3A_322 : vector<16xi32>
        %gather3A_324 = tpu.vector_load_idx %arg4[%add3A_323, %mul3A_85, %min3A_249] : memref<8x2x1024xf32, #tpu.memory_space<vmem>>[vector<16xi32>, vector<16xi32>, vector<16xi32>], vector<16xf32>,
        %add3A_325 = arith.constant 2 : i32
        %add3A_326 = vector.broadcast %add3A_325 : i32 to vector<16xi32>
        %add3A_327 = arith.addi %mul3A_85, %add3A_326 : vector<16xi32>
        %gather3A_328 = tpu.vector_load_idx %arg4[%add3A_327, %add3A_91, %min3A_249] : memref<8x2x1024xf32, #tpu.memory_space<vmem>>[vector<16xi32>, vector<16xi32>, vector<16xi32>], vector<16xf32>,
        %gt3A_329 = arith.constant 0.000000e+00 : f32
        %gt3A_330 = vector.broadcast %gt3A_329 : f32 to vector<16xf32>
        %gt3A_331 = arith.cmpf ogt, %gather3A_324, %gt3A_330 : vector<16xf32>
        %jit3A_332 = arith.constant 65536 : i32
        %jit3A_333 = arith.constant 0 : i32
        %broadcast_in_dim3A_334 = vector.broadcast %jit3A_332 : i32 to vector<16xi32>
        %broadcast_in_dim3A_335 = vector.broadcast %jit3A_333 : i32 to vector<16xi32>
        %select_n3A_336 = arith.select %gt3A_331, %broadcast_in_dim3A_334, %broadcast_in_dim3A_335 : vector<16xi1>, vector<16xi32>
        %or3A_337 = arith.ori %or3A_311, %select_n3A_336 : vector<16xi32>
        %gt3A_338 = arith.constant 0.000000e+00 : f32
        %gt3A_339 = vector.broadcast %gt3A_338 : f32 to vector<16xf32>
        %gt3A_340 = arith.cmpf ogt, %gather3A_328, %gt3A_339 : vector<16xf32>
        %jit3A_341 = arith.constant 65536 : i32
        %jit3A_342 = arith.constant 0 : i32
        %broadcast_in_dim3A_343 = vector.broadcast %jit3A_341 : i32 to vector<16xi32>
        %broadcast_in_dim3A_344 = vector.broadcast %jit3A_342 : i32 to vector<16xi32>
        %select_n3A_345 = arith.select %gt3A_340, %broadcast_in_dim3A_343, %broadcast_in_dim3A_344 : vector<16xi1>, vector<16xi32>
        %or3A_346 = arith.ori %or3A_320, %select_n3A_345 : vector<16xi32>
        %add3A_347 = arith.constant 3 : i32
        %add3A_348 = vector.broadcast %add3A_347 : i32 to vector<16xi32>
        %add3A_349 = arith.addi %mul3A_85, %add3A_348 : vector<16xi32>
        %gather3A_350 = tpu.vector_load_idx %arg4[%add3A_349, %mul3A_85, %min3A_249] : memref<8x2x1024xf32, #tpu.memory_space<vmem>>[vector<16xi32>, vector<16xi32>, vector<16xi32>], vector<16xf32>,
        %add3A_351 = arith.constant 3 : i32
        %add3A_352 = vector.broadcast %add3A_351 : i32 to vector<16xi32>
        %add3A_353 = arith.addi %mul3A_85, %add3A_352 : vector<16xi32>
        %gather3A_354 = tpu.vector_load_idx %arg4[%add3A_353, %add3A_91, %min3A_249] : memref<8x2x1024xf32, #tpu.memory_space<vmem>>[vector<16xi32>, vector<16xi32>, vector<16xi32>], vector<16xf32>,
        %gt3A_355 = arith.constant 0.000000e+00 : f32
        %gt3A_356 = vector.broadcast %gt3A_355 : f32 to vector<16xf32>
        %gt3A_357 = arith.cmpf ogt, %gather3A_350, %gt3A_356 : vector<16xf32>
        %jit3A_358 = arith.constant 16777216 : i32
        %jit3A_359 = arith.constant 0 : i32
        %broadcast_in_dim3A_360 = vector.broadcast %jit3A_358 : i32 to vector<16xi32>
        %broadcast_in_dim3A_361 = vector.broadcast %jit3A_359 : i32 to vector<16xi32>
        %select_n3A_362 = arith.select %gt3A_357, %broadcast_in_dim3A_360, %broadcast_in_dim3A_361 : vector<16xi1>, vector<16xi32>
        %or3A_363 = arith.ori %or3A_337, %select_n3A_362 : vector<16xi32>
        %gt3A_364 = arith.constant 0.000000e+00 : f32
        %gt3A_365 = vector.broadcast %gt3A_364 : f32 to vector<16xf32>
        %gt3A_366 = arith.cmpf ogt, %gather3A_354, %gt3A_365 : vector<16xf32>
        %jit3A_367 = arith.constant 16777216 : i32
        %jit3A_368 = arith.constant 0 : i32
        %broadcast_in_dim3A_369 = vector.broadcast %jit3A_367 : i32 to vector<16xi32>
        %broadcast_in_dim3A_370 = vector.broadcast %jit3A_368 : i32 to vector<16xi32>
        %select_n3A_371 = arith.select %gt3A_366, %broadcast_in_dim3A_369, %broadcast_in_dim3A_370 : vector<16xi1>, vector<16xi32>
        %or3A_372 = arith.ori %or3A_346, %select_n3A_371 : vector<16xi32>
        tpu.vector_store_idx %arg6[%mul3A_85, %sub3A_258], %or3A_363 masked %and3A_268 : memref<2x33024xi32, #tpu.memory_space<vmem>>[vector<16xi32>, vector<16xi32>], vector<16xi32>, vector<16xi1>
        %add3A_373 = arith.constant 1 : i32
        %add3A_374 = vector.broadcast %add3A_373 : i32 to vector<16xi32>
        %add3A_375 = arith.addi %sub3A_258, %add3A_374 : vector<16xi32>
        tpu.vector_store_idx %arg6[%mul3A_85, %add3A_375], %or3A_372 masked %and3A_268 : memref<2x33024xi32, #tpu.memory_space<vmem>>[vector<16xi32>, vector<16xi32>], vector<16xi32>, vector<16xi1>
        %broadcast_in_dim3A_376 = arith.constant 0 : i32
        %broadcast_in_dim3A_377 = vector.broadcast %broadcast_in_dim3A_376 : i32 to vector<16xi32>
        %broadcast_in_dim3A_378 = arith.constant 0 : i32
        %broadcast_in_dim3A_379 = vector.broadcast %broadcast_in_dim3A_378 : i32 to vector<16xi32>
        %add3A_380 = arith.constant 4 : i32
        %add3A_381 = vector.broadcast %add3A_380 : i32 to vector<16xi32>
        %add3A_382 = arith.addi %mul3A_85, %add3A_381 : vector<16xi32>
        %gather3A_383 = tpu.vector_load_idx %arg4[%add3A_382, %mul3A_85, %min3A_249] : memref<8x2x1024xf32, #tpu.memory_space<vmem>>[vector<16xi32>, vector<16xi32>, vector<16xi32>], vector<16xf32>,
        %add3A_384 = arith.constant 4 : i32
        %add3A_385 = vector.broadcast %add3A_384 : i32 to vector<16xi32>
        %add3A_386 = arith.addi %mul3A_85, %add3A_385 : vector<16xi32>
        %gather3A_387 = tpu.vector_load_idx %arg4[%add3A_386, %add3A_91, %min3A_249] : memref<8x2x1024xf32, #tpu.memory_space<vmem>>[vector<16xi32>, vector<16xi32>, vector<16xi32>], vector<16xf32>,
        %gt3A_388 = arith.constant 0.000000e+00 : f32
        %gt3A_389 = vector.broadcast %gt3A_388 : f32 to vector<16xf32>
        %gt3A_390 = arith.cmpf ogt, %gather3A_383, %gt3A_389 : vector<16xf32>
        %jit3A_391 = arith.constant 1 : i32
        %jit3A_392 = arith.constant 0 : i32
        %broadcast_in_dim3A_393 = vector.broadcast %jit3A_391 : i32 to vector<16xi32>
        %broadcast_in_dim3A_394 = vector.broadcast %jit3A_392 : i32 to vector<16xi32>
        %select_n3A_395 = arith.select %gt3A_390, %broadcast_in_dim3A_393, %broadcast_in_dim3A_394 : vector<16xi1>, vector<16xi32>
        %or3A_396 = arith.ori %broadcast_in_dim3A_377, %select_n3A_395 : vector<16xi32>
        %gt3A_397 = arith.constant 0.000000e+00 : f32
        %gt3A_398 = vector.broadcast %gt3A_397 : f32 to vector<16xf32>
        %gt3A_399 = arith.cmpf ogt, %gather3A_387, %gt3A_398 : vector<16xf32>
        %jit3A_400 = arith.constant 1 : i32
        %jit3A_401 = arith.constant 0 : i32
        %broadcast_in_dim3A_402 = vector.broadcast %jit3A_400 : i32 to vector<16xi32>
        %broadcast_in_dim3A_403 = vector.broadcast %jit3A_401 : i32 to vector<16xi32>
        %select_n3A_404 = arith.select %gt3A_399, %broadcast_in_dim3A_402, %broadcast_in_dim3A_403 : vector<16xi1>, vector<16xi32>
        %or3A_405 = arith.ori %broadcast_in_dim3A_379, %select_n3A_404 : vector<16xi32>
        %add3A_406 = arith.constant 5 : i32
        %add3A_407 = vector.broadcast %add3A_406 : i32 to vector<16xi32>
        %add3A_408 = arith.addi %mul3A_85, %add3A_407 : vector<16xi32>
        %gather3A_409 = tpu.vector_load_idx %arg4[%add3A_408, %mul3A_85, %min3A_249] : memref<8x2x1024xf32, #tpu.memory_space<vmem>>[vector<16xi32>, vector<16xi32>, vector<16xi32>], vector<16xf32>,
        %add3A_410 = arith.constant 5 : i32
        %add3A_411 = vector.broadcast %add3A_410 : i32 to vector<16xi32>
        %add3A_412 = arith.addi %mul3A_85, %add3A_411 : vector<16xi32>
        %gather3A_413 = tpu.vector_load_idx %arg4[%add3A_412, %add3A_91, %min3A_249] : memref<8x2x1024xf32, #tpu.memory_space<vmem>>[vector<16xi32>, vector<16xi32>, vector<16xi32>], vector<16xf32>,
        %gt3A_414 = arith.constant 0.000000e+00 : f32
        %gt3A_415 = vector.broadcast %gt3A_414 : f32 to vector<16xf32>
        %gt3A_416 = arith.cmpf ogt, %gather3A_409, %gt3A_415 : vector<16xf32>
        %jit3A_417 = arith.constant 256 : i32
        %jit3A_418 = arith.constant 0 : i32
        %broadcast_in_dim3A_419 = vector.broadcast %jit3A_417 : i32 to vector<16xi32>
        %broadcast_in_dim3A_420 = vector.broadcast %jit3A_418 : i32 to vector<16xi32>
        %select_n3A_421 = arith.select %gt3A_416, %broadcast_in_dim3A_419, %broadcast_in_dim3A_420 : vector<16xi1>, vector<16xi32>
        %or3A_422 = arith.ori %or3A_396, %select_n3A_421 : vector<16xi32>
        %gt3A_423 = arith.constant 0.000000e+00 : f32
        %gt3A_424 = vector.broadcast %gt3A_423 : f32 to vector<16xf32>
        %gt3A_425 = arith.cmpf ogt, %gather3A_413, %gt3A_424 : vector<16xf32>
        %jit3A_426 = arith.constant 256 : i32
        %jit3A_427 = arith.constant 0 : i32
        %broadcast_in_dim3A_428 = vector.broadcast %jit3A_426 : i32 to vector<16xi32>
        %broadcast_in_dim3A_429 = vector.broadcast %jit3A_427 : i32 to vector<16xi32>
        %select_n3A_430 = arith.select %gt3A_425, %broadcast_in_dim3A_428, %broadcast_in_dim3A_429 : vector<16xi1>, vector<16xi32>
        %or3A_431 = arith.ori %or3A_405, %select_n3A_430 : vector<16xi32>
        %add3A_432 = arith.constant 6 : i32
        %add3A_433 = vector.broadcast %add3A_432 : i32 to vector<16xi32>
        %add3A_434 = arith.addi %mul3A_85, %add3A_433 : vector<16xi32>
        %gather3A_435 = tpu.vector_load_idx %arg4[%add3A_434, %mul3A_85, %min3A_249] : memref<8x2x1024xf32, #tpu.memory_space<vmem>>[vector<16xi32>, vector<16xi32>, vector<16xi32>], vector<16xf32>,
        %add3A_436 = arith.constant 6 : i32
        %add3A_437 = vector.broadcast %add3A_436 : i32 to vector<16xi32>
        %add3A_438 = arith.addi %mul3A_85, %add3A_437 : vector<16xi32>
        %gather3A_439 = tpu.vector_load_idx %arg4[%add3A_438, %add3A_91, %min3A_249] : memref<8x2x1024xf32, #tpu.memory_space<vmem>>[vector<16xi32>, vector<16xi32>, vector<16xi32>], vector<16xf32>,
        %gt3A_440 = arith.constant 0.000000e+00 : f32
        %gt3A_441 = vector.broadcast %gt3A_440 : f32 to vector<16xf32>
        %gt3A_442 = arith.cmpf ogt, %gather3A_435, %gt3A_441 : vector<16xf32>
        %jit3A_443 = arith.constant 65536 : i32
        %jit3A_444 = arith.constant 0 : i32
        %broadcast_in_dim3A_445 = vector.broadcast %jit3A_443 : i32 to vector<16xi32>
        %broadcast_in_dim3A_446 = vector.broadcast %jit3A_444 : i32 to vector<16xi32>
        %select_n3A_447 = arith.select %gt3A_442, %broadcast_in_dim3A_445, %broadcast_in_dim3A_446 : vector<16xi1>, vector<16xi32>
        %or3A_448 = arith.ori %or3A_422, %select_n3A_447 : vector<16xi32>
        %gt3A_449 = arith.constant 0.000000e+00 : f32
        %gt3A_450 = vector.broadcast %gt3A_449 : f32 to vector<16xf32>
        %gt3A_451 = arith.cmpf ogt, %gather3A_439, %gt3A_450 : vector<16xf32>
        %jit3A_452 = arith.constant 65536 : i32
        %jit3A_453 = arith.constant 0 : i32
        %broadcast_in_dim3A_454 = vector.broadcast %jit3A_452 : i32 to vector<16xi32>
        %broadcast_in_dim3A_455 = vector.broadcast %jit3A_453 : i32 to vector<16xi32>
        %select_n3A_456 = arith.select %gt3A_451, %broadcast_in_dim3A_454, %broadcast_in_dim3A_455 : vector<16xi1>, vector<16xi32>
        %or3A_457 = arith.ori %or3A_431, %select_n3A_456 : vector<16xi32>
        %add3A_458 = arith.constant 7 : i32
        %add3A_459 = vector.broadcast %add3A_458 : i32 to vector<16xi32>
        %add3A_460 = arith.addi %mul3A_85, %add3A_459 : vector<16xi32>
        %gather3A_461 = tpu.vector_load_idx %arg4[%add3A_460, %mul3A_85, %min3A_249] : memref<8x2x1024xf32, #tpu.memory_space<vmem>>[vector<16xi32>, vector<16xi32>, vector<16xi32>], vector<16xf32>,
        %add3A_462 = arith.constant 7 : i32
        %add3A_463 = vector.broadcast %add3A_462 : i32 to vector<16xi32>
        %add3A_464 = arith.addi %mul3A_85, %add3A_463 : vector<16xi32>
        %gather3A_465 = tpu.vector_load_idx %arg4[%add3A_464, %add3A_91, %min3A_249] : memref<8x2x1024xf32, #tpu.memory_space<vmem>>[vector<16xi32>, vector<16xi32>, vector<16xi32>], vector<16xf32>,
        %gt3A_466 = arith.constant 0.000000e+00 : f32
        %gt3A_467 = vector.broadcast %gt3A_466 : f32 to vector<16xf32>
        %gt3A_468 = arith.cmpf ogt, %gather3A_461, %gt3A_467 : vector<16xf32>
        %jit3A_469 = arith.constant 16777216 : i32
        %jit3A_470 = arith.constant 0 : i32
        %broadcast_in_dim3A_471 = vector.broadcast %jit3A_469 : i32 to vector<16xi32>
        %broadcast_in_dim3A_472 = vector.broadcast %jit3A_470 : i32 to vector<16xi32>
        %select_n3A_473 = arith.select %gt3A_468, %broadcast_in_dim3A_471, %broadcast_in_dim3A_472 : vector<16xi1>, vector<16xi32>
        %or3A_474 = arith.ori %or3A_448, %select_n3A_473 : vector<16xi32>
        %gt3A_475 = arith.constant 0.000000e+00 : f32
        %gt3A_476 = vector.broadcast %gt3A_475 : f32 to vector<16xf32>
        %gt3A_477 = arith.cmpf ogt, %gather3A_465, %gt3A_476 : vector<16xf32>
        %jit3A_478 = arith.constant 16777216 : i32
        %jit3A_479 = arith.constant 0 : i32
        %broadcast_in_dim3A_480 = vector.broadcast %jit3A_478 : i32 to vector<16xi32>
        %broadcast_in_dim3A_481 = vector.broadcast %jit3A_479 : i32 to vector<16xi32>
        %select_n3A_482 = arith.select %gt3A_477, %broadcast_in_dim3A_480, %broadcast_in_dim3A_481 : vector<16xi1>, vector<16xi32>
        %or3A_483 = arith.ori %or3A_457, %select_n3A_482 : vector<16xi32>
        tpu.vector_store_idx %arg6[%add3A_91, %sub3A_258], %or3A_474 masked %and3A_268 : memref<2x33024xi32, #tpu.memory_space<vmem>>[vector<16xi32>, vector<16xi32>], vector<16xi32>, vector<16xi1>
        %add3A_484 = arith.constant 1 : i32
        %add3A_485 = vector.broadcast %add3A_484 : i32 to vector<16xi32>
        %add3A_486 = arith.addi %sub3A_258, %add3A_485 : vector<16xi32>
        tpu.vector_store_idx %arg6[%add3A_91, %add3A_486], %or3A_483 masked %and3A_268 : memref<2x33024xi32, #tpu.memory_space<vmem>>[vector<16xi32>, vector<16xi32>], vector<16xi32>, vector<16xi1>
      }
      %scan3A_198 = arith.constant 64 : i32
      %mul3A_199 = arith.constant 2 : i32
      %mul3A_200 = arith.muli %mul3A_199, %add3A_171 : i32
      %add3A_201 = arith.constant 1 : i32
      %add3A_202 = arith.addi %mul3A_200, %add3A_201 : i32
      %add3A_203 = arith.constant 1 : i32
      %add3A_204 = arith.addi %add3A_202, %add3A_203 : i32
      %lt3A_205 = arith.cmpi slt, %add3A_204, %mul3A_82 : i32
      %convert_element_type3A_206 = arith.extui %lt3A_205 : i1 to i32
      %cond3A_207 = arith.constant 0 : i32
      %cond3A_208 = arith.cmpi ne, %convert_element_type3A_206, %cond3A_207 : i32
      scf.if %cond3A_208 {
        %add3A_231 = arith.constant 1 : i32
        %add3A_232 = arith.addi %add3A_202, %add3A_231 : i32
        %sub3A_233 = arith.constant 1 : i32
        %sub3A_234 = arith.subi %mul3A_82, %sub3A_233 : i32
        %min3A_235 = arith.minsi %add3A_232, %sub3A_234 : i32
        %add3A_236 = arith.addi %mul3A_79, %min3A_235 : i32
        %mul3A_237 = arith.constant 1024 : i32
        %mul3A_238 = arith.muli %add3A_236, %mul3A_237 : i32
        %dma_start3A_239 = arith.constant 0 : i32
        %dma_start3A_240 = arith.constant 0 : i32
        %dma_start3A_241 = tpu.memref_slice %arg2[%dma_start3A_239, %dma_start3A_240, %mul3A_238] : memref<8x2x524288xf32, #tpu.memory_space<hbm>> -> memref<8x2x1024xf32, #tpu.memory_space<hbm>>
        %dma_start3A_242 = arith.constant 0 : i32
        %dma_start3A_243 = arith.constant 0 : i32
        %dma_start3A_244 = tpu.memref_slice %arg2[%dma_start3A_242, %dma_start3A_243, %mul3A_238] : memref<8x2x524288xf32, #tpu.memory_space<hbm>> -> memref<8x2x1024xf32, #tpu.memory_space<hbm>>
        tpu.enqueue_dma source(%dma_start3A_244 : memref<8x2x1024xf32, #tpu.memory_space<hbm>>) target(%arg4 : memref<8x2x1024xf32, #tpu.memory_space<vmem>>) target_semaphore(%arg7 : memref<!tpu.dma_semaphore, #tpu.memory_space<semaphore_mem>>)
      } else {
      }
      %sub3A_209 = arith.constant 1 : i32
      %sub3A_210 = arith.subi %mul3A_82, %sub3A_209 : i32
      %min3A_211 = arith.minsi %add3A_202, %sub3A_210 : i32
      %add3A_212 = arith.addi %mul3A_79, %min3A_211 : i32
      %mul3A_213 = arith.constant 1024 : i32
      %mul3A_214 = arith.muli %add3A_212, %mul3A_213 : i32
      %dma_wait3A_215 = arith.constant 0 : i32
      %dma_wait3A_216 = arith.constant 0 : i32
      %dma_wait3A_217 = tpu.memref_slice %arg2[%dma_wait3A_215, %dma_wait3A_216, %mul3A_214] : memref<8x2x524288xf32, #tpu.memory_space<hbm>> -> memref<8x2x1024xf32, #tpu.memory_space<hbm>>
      %dma_wait3A_218 = arith.constant 0 : i32
      %dma_wait3A_219 = arith.constant 0 : i32
      %dma_wait3A_220 = tpu.memref_slice %arg2[%dma_wait3A_218, %dma_wait3A_219, %mul3A_214] : memref<8x2x524288xf32, #tpu.memory_space<hbm>> -> memref<8x2x1024xf32, #tpu.memory_space<hbm>>
      tpu.wait_dma2 semaphore(%arg8 : memref<!tpu.dma_semaphore, #tpu.memory_space<semaphore_mem>>) src(%dma_wait3A_220 : memref<8x2x1024xf32, #tpu.memory_space<hbm>>) dst(%arg5 : memref<8x2x1024xf32, #tpu.memory_space<vmem>>)
      %add3A_221 = arith.addi %mul3A_79, %add3A_202 : i32
      %shift_right_arithmetic3A_222 = arith.constant 1 : i32
      %shift_right_arithmetic3A_223 = arith.shrsi %add3A_221, %shift_right_arithmetic3A_222 : i32
      %and3A_224 = arith.constant 1 : i32
      %and3A_225 = arith.andi %add3A_221, %and3A_224 : i32
      %scan3A_226 = arith.constant 0 : i32
      %scan3A_227 = arith.constant 64 : i32
      %scan3A_228 = arith.addi %scan3A_226, %scan3A_227 : i32
      %scan3A_229 = arith.constant 1 : i32
      scf.for %scan3A_231 = %scan3A_226 to %scan3A_228 step %scan3A_229  : i32 {
        %mul3A_232 = arith.constant 1 : i32
        %mul3A_233 = arith.muli %scan3A_231, %mul3A_232 : i32
        %add3A_234 = arith.constant 0 : i32
        %add3A_235 = arith.addi %add3A_234, %mul3A_233 : i32
        %mul3A_236 = arith.constant 1024 : i32
        %mul3A_237 = arith.muli %and3A_225, %mul3A_236 : i32
        %mul3A_238 = arith.constant 16 : i32
        %mul3A_239 = arith.muli %add3A_235, %mul3A_238 : i32
        %add3A_240 = arith.addi %mul3A_237, %mul3A_239 : i32
        %add3A_241 = vector.broadcast %add3A_240 : i32 to vector<16xi32>
        %add3A_242 = arith.addi %add3A_241, %iota3A : vector<16xi32>
        %mul3A_243 = arith.constant 1023 : i32
        %mul3A_244 = arith.muli %mul3A_243, %and3A_225 : i32
        %sub3A_245 = vector.broadcast %mul3A_244 : i32 to vector<16xi32>
        %sub3A_246 = arith.subi %add3A_242, %sub3A_245 : vector<16xi32>
        %min3A_247 = arith.constant 1023 : i32
        %min3A_248 = vector.broadcast %min3A_247 : i32 to vector<16xi32>
        %min3A_249 = arith.minsi %sub3A_246, %min3A_248 : vector<16xi32>
        %mul3A_250 = arith.constant 4094 : i32
        %mul3A_251 = arith.muli %shift_right_arithmetic3A_223, %mul3A_250 : i32
        %mul3A_252 = arith.constant 2 : i32
        %mul3A_253 = vector.broadcast %mul3A_252 : i32 to vector<16xi32>
        %mul3A_254 = arith.muli %mul3A_253, %add3A_242 : vector<16xi32>
        %add3A_255 = vector.broadcast %mul3A_251 : i32 to vector<16xi32>
        %add3A_256 = arith.addi %add3A_255, %mul3A_254 : vector<16xi32>
        %sub3A_257 = vector.broadcast %multiple_of3A : i32 to vector<16xi32>
        %sub3A_258 = arith.subi %add3A_256, %sub3A_257 : vector<16xi32>
        %lt3A_259 = arith.constant 2047 : i32
        %lt3A_260 = vector.broadcast %lt3A_259 : i32 to vector<16xi32>
        %lt3A_261 = arith.cmpi slt, %add3A_242, %lt3A_260 : vector<16xi32>
        %ge3A = arith.constant 0 : i32
        %ge3A_262 = vector.broadcast %ge3A : i32 to vector<16xi32>
        %ge3A_263 = arith.cmpi sge, %sub3A_258, %ge3A_262 : vector<16xi32>
        %and3A_264 = arith.andi %lt3A_261, %ge3A_263 : vector<16xi1>
        %lt3A_265 = arith.constant 33024 : i32
        %lt3A_266 = vector.broadcast %lt3A_265 : i32 to vector<16xi32>
        %lt3A_267 = arith.cmpi slt, %sub3A_258, %lt3A_266 : vector<16xi32>
        %and3A_268 = arith.andi %and3A_264, %lt3A_267 : vector<16xi1>
        %broadcast_in_dim3A = arith.constant 0 : i32
        %broadcast_in_dim3A_269 = vector.broadcast %broadcast_in_dim3A : i32 to vector<16xi32>
        %broadcast_in_dim3A_270 = arith.constant 0 : i32
        %broadcast_in_dim3A_271 = vector.broadcast %broadcast_in_dim3A_270 : i32 to vector<16xi32>
        %add3A_272 = arith.constant 0 : i32
        %add3A_273 = vector.broadcast %add3A_272 : i32 to vector<16xi32>
        %add3A_274 = arith.addi %mul3A_85, %add3A_273 : vector<16xi32>
        %gather3A = tpu.vector_load_idx %arg5[%add3A_274, %mul3A_85, %min3A_249] : memref<8x2x1024xf32, #tpu.memory_space<vmem>>[vector<16xi32>, vector<16xi32>, vector<16xi32>], vector<16xf32>,
        %add3A_275 = arith.constant 0 : i32
        %add3A_276 = vector.broadcast %add3A_275 : i32 to vector<16xi32>
        %add3A_277 = arith.addi %mul3A_85, %add3A_276 : vector<16xi32>
        %gather3A_278 = tpu.vector_load_idx %arg5[%add3A_277, %add3A_91, %min3A_249] : memref<8x2x1024xf32, #tpu.memory_space<vmem>>[vector<16xi32>, vector<16xi32>, vector<16xi32>], vector<16xf32>,
        %gt3A = arith.constant 0.000000e+00 : f32
        %gt3A_279 = vector.broadcast %gt3A : f32 to vector<16xf32>
        %gt3A_280 = arith.cmpf ogt, %gather3A, %gt3A_279 : vector<16xf32>
        %jit3A_281 = arith.constant 1 : i32
        %jit3A_282 = arith.constant 0 : i32
        %broadcast_in_dim3A_283 = vector.broadcast %jit3A_281 : i32 to vector<16xi32>
        %broadcast_in_dim3A_284 = vector.broadcast %jit3A_282 : i32 to vector<16xi32>
        %select_n3A_285 = arith.select %gt3A_280, %broadcast_in_dim3A_283, %broadcast_in_dim3A_284 : vector<16xi1>, vector<16xi32>
        %or3A = arith.ori %broadcast_in_dim3A_269, %select_n3A_285 : vector<16xi32>
        %gt3A_286 = arith.constant 0.000000e+00 : f32
        %gt3A_287 = vector.broadcast %gt3A_286 : f32 to vector<16xf32>
        %gt3A_288 = arith.cmpf ogt, %gather3A_278, %gt3A_287 : vector<16xf32>
        %jit3A_289 = arith.constant 1 : i32
        %jit3A_290 = arith.constant 0 : i32
        %broadcast_in_dim3A_291 = vector.broadcast %jit3A_289 : i32 to vector<16xi32>
        %broadcast_in_dim3A_292 = vector.broadcast %jit3A_290 : i32 to vector<16xi32>
        %select_n3A_293 = arith.select %gt3A_288, %broadcast_in_dim3A_291, %broadcast_in_dim3A_292 : vector<16xi1>, vector<16xi32>
        %or3A_294 = arith.ori %broadcast_in_dim3A_271, %select_n3A_293 : vector<16xi32>
        %add3A_295 = arith.constant 1 : i32
        %add3A_296 = vector.broadcast %add3A_295 : i32 to vector<16xi32>
        %add3A_297 = arith.addi %mul3A_85, %add3A_296 : vector<16xi32>
        %gather3A_298 = tpu.vector_load_idx %arg5[%add3A_297, %mul3A_85, %min3A_249] : memref<8x2x1024xf32, #tpu.memory_space<vmem>>[vector<16xi32>, vector<16xi32>, vector<16xi32>], vector<16xf32>,
        %add3A_299 = arith.constant 1 : i32
        %add3A_300 = vector.broadcast %add3A_299 : i32 to vector<16xi32>
        %add3A_301 = arith.addi %mul3A_85, %add3A_300 : vector<16xi32>
        %gather3A_302 = tpu.vector_load_idx %arg5[%add3A_301, %add3A_91, %min3A_249] : memref<8x2x1024xf32, #tpu.memory_space<vmem>>[vector<16xi32>, vector<16xi32>, vector<16xi32>], vector<16xf32>,
        %gt3A_303 = arith.constant 0.000000e+00 : f32
        %gt3A_304 = vector.broadcast %gt3A_303 : f32 to vector<16xf32>
        %gt3A_305 = arith.cmpf ogt, %gather3A_298, %gt3A_304 : vector<16xf32>
        %jit3A_306 = arith.constant 256 : i32
        %jit3A_307 = arith.constant 0 : i32
        %broadcast_in_dim3A_308 = vector.broadcast %jit3A_306 : i32 to vector<16xi32>
        %broadcast_in_dim3A_309 = vector.broadcast %jit3A_307 : i32 to vector<16xi32>
        %select_n3A_310 = arith.select %gt3A_305, %broadcast_in_dim3A_308, %broadcast_in_dim3A_309 : vector<16xi1>, vector<16xi32>
        %or3A_311 = arith.ori %or3A, %select_n3A_310 : vector<16xi32>
        %gt3A_312 = arith.constant 0.000000e+00 : f32
        %gt3A_313 = vector.broadcast %gt3A_312 : f32 to vector<16xf32>
        %gt3A_314 = arith.cmpf ogt, %gather3A_302, %gt3A_313 : vector<16xf32>
        %jit3A_315 = arith.constant 256 : i32
        %jit3A_316 = arith.constant 0 : i32
        %broadcast_in_dim3A_317 = vector.broadcast %jit3A_315 : i32 to vector<16xi32>
        %broadcast_in_dim3A_318 = vector.broadcast %jit3A_316 : i32 to vector<16xi32>
        %select_n3A_319 = arith.select %gt3A_314, %broadcast_in_dim3A_317, %broadcast_in_dim3A_318 : vector<16xi1>, vector<16xi32>
        %or3A_320 = arith.ori %or3A_294, %select_n3A_319 : vector<16xi32>
        %add3A_321 = arith.constant 2 : i32
        %add3A_322 = vector.broadcast %add3A_321 : i32 to vector<16xi32>
        %add3A_323 = arith.addi %mul3A_85, %add3A_322 : vector<16xi32>
        %gather3A_324 = tpu.vector_load_idx %arg5[%add3A_323, %mul3A_85, %min3A_249] : memref<8x2x1024xf32, #tpu.memory_space<vmem>>[vector<16xi32>, vector<16xi32>, vector<16xi32>], vector<16xf32>,
        %add3A_325 = arith.constant 2 : i32
        %add3A_326 = vector.broadcast %add3A_325 : i32 to vector<16xi32>
        %add3A_327 = arith.addi %mul3A_85, %add3A_326 : vector<16xi32>
        %gather3A_328 = tpu.vector_load_idx %arg5[%add3A_327, %add3A_91, %min3A_249] : memref<8x2x1024xf32, #tpu.memory_space<vmem>>[vector<16xi32>, vector<16xi32>, vector<16xi32>], vector<16xf32>,
        %gt3A_329 = arith.constant 0.000000e+00 : f32
        %gt3A_330 = vector.broadcast %gt3A_329 : f32 to vector<16xf32>
        %gt3A_331 = arith.cmpf ogt, %gather3A_324, %gt3A_330 : vector<16xf32>
        %jit3A_332 = arith.constant 65536 : i32
        %jit3A_333 = arith.constant 0 : i32
        %broadcast_in_dim3A_334 = vector.broadcast %jit3A_332 : i32 to vector<16xi32>
        %broadcast_in_dim3A_335 = vector.broadcast %jit3A_333 : i32 to vector<16xi32>
        %select_n3A_336 = arith.select %gt3A_331, %broadcast_in_dim3A_334, %broadcast_in_dim3A_335 : vector<16xi1>, vector<16xi32>
        %or3A_337 = arith.ori %or3A_311, %select_n3A_336 : vector<16xi32>
        %gt3A_338 = arith.constant 0.000000e+00 : f32
        %gt3A_339 = vector.broadcast %gt3A_338 : f32 to vector<16xf32>
        %gt3A_340 = arith.cmpf ogt, %gather3A_328, %gt3A_339 : vector<16xf32>
        %jit3A_341 = arith.constant 65536 : i32
        %jit3A_342 = arith.constant 0 : i32
        %broadcast_in_dim3A_343 = vector.broadcast %jit3A_341 : i32 to vector<16xi32>
        %broadcast_in_dim3A_344 = vector.broadcast %jit3A_342 : i32 to vector<16xi32>
        %select_n3A_345 = arith.select %gt3A_340, %broadcast_in_dim3A_343, %broadcast_in_dim3A_344 : vector<16xi1>, vector<16xi32>
        %or3A_346 = arith.ori %or3A_320, %select_n3A_345 : vector<16xi32>
        %add3A_347 = arith.constant 3 : i32
        %add3A_348 = vector.broadcast %add3A_347 : i32 to vector<16xi32>
        %add3A_349 = arith.addi %mul3A_85, %add3A_348 : vector<16xi32>
        %gather3A_350 = tpu.vector_load_idx %arg5[%add3A_349, %mul3A_85, %min3A_249] : memref<8x2x1024xf32, #tpu.memory_space<vmem>>[vector<16xi32>, vector<16xi32>, vector<16xi32>], vector<16xf32>,
        %add3A_351 = arith.constant 3 : i32
        %add3A_352 = vector.broadcast %add3A_351 : i32 to vector<16xi32>
        %add3A_353 = arith.addi %mul3A_85, %add3A_352 : vector<16xi32>
        %gather3A_354 = tpu.vector_load_idx %arg5[%add3A_353, %add3A_91, %min3A_249] : memref<8x2x1024xf32, #tpu.memory_space<vmem>>[vector<16xi32>, vector<16xi32>, vector<16xi32>], vector<16xf32>,
        %gt3A_355 = arith.constant 0.000000e+00 : f32
        %gt3A_356 = vector.broadcast %gt3A_355 : f32 to vector<16xf32>
        %gt3A_357 = arith.cmpf ogt, %gather3A_350, %gt3A_356 : vector<16xf32>
        %jit3A_358 = arith.constant 16777216 : i32
        %jit3A_359 = arith.constant 0 : i32
        %broadcast_in_dim3A_360 = vector.broadcast %jit3A_358 : i32 to vector<16xi32>
        %broadcast_in_dim3A_361 = vector.broadcast %jit3A_359 : i32 to vector<16xi32>
        %select_n3A_362 = arith.select %gt3A_357, %broadcast_in_dim3A_360, %broadcast_in_dim3A_361 : vector<16xi1>, vector<16xi32>
        %or3A_363 = arith.ori %or3A_337, %select_n3A_362 : vector<16xi32>
        %gt3A_364 = arith.constant 0.000000e+00 : f32
        %gt3A_365 = vector.broadcast %gt3A_364 : f32 to vector<16xf32>
        %gt3A_366 = arith.cmpf ogt, %gather3A_354, %gt3A_365 : vector<16xf32>
        %jit3A_367 = arith.constant 16777216 : i32
        %jit3A_368 = arith.constant 0 : i32
        %broadcast_in_dim3A_369 = vector.broadcast %jit3A_367 : i32 to vector<16xi32>
        %broadcast_in_dim3A_370 = vector.broadcast %jit3A_368 : i32 to vector<16xi32>
        %select_n3A_371 = arith.select %gt3A_366, %broadcast_in_dim3A_369, %broadcast_in_dim3A_370 : vector<16xi1>, vector<16xi32>
        %or3A_372 = arith.ori %or3A_346, %select_n3A_371 : vector<16xi32>
        tpu.vector_store_idx %arg6[%mul3A_85, %sub3A_258], %or3A_363 masked %and3A_268 : memref<2x33024xi32, #tpu.memory_space<vmem>>[vector<16xi32>, vector<16xi32>], vector<16xi32>, vector<16xi1>
        %add3A_373 = arith.constant 1 : i32
        %add3A_374 = vector.broadcast %add3A_373 : i32 to vector<16xi32>
        %add3A_375 = arith.addi %sub3A_258, %add3A_374 : vector<16xi32>
        tpu.vector_store_idx %arg6[%mul3A_85, %add3A_375], %or3A_372 masked %and3A_268 : memref<2x33024xi32, #tpu.memory_space<vmem>>[vector<16xi32>, vector<16xi32>], vector<16xi32>, vector<16xi1>
        %broadcast_in_dim3A_376 = arith.constant 0 : i32
        %broadcast_in_dim3A_377 = vector.broadcast %broadcast_in_dim3A_376 : i32 to vector<16xi32>
        %broadcast_in_dim3A_378 = arith.constant 0 : i32
        %broadcast_in_dim3A_379 = vector.broadcast %broadcast_in_dim3A_378 : i32 to vector<16xi32>
        %add3A_380 = arith.constant 4 : i32
        %add3A_381 = vector.broadcast %add3A_380 : i32 to vector<16xi32>
        %add3A_382 = arith.addi %mul3A_85, %add3A_381 : vector<16xi32>
        %gather3A_383 = tpu.vector_load_idx %arg5[%add3A_382, %mul3A_85, %min3A_249] : memref<8x2x1024xf32, #tpu.memory_space<vmem>>[vector<16xi32>, vector<16xi32>, vector<16xi32>], vector<16xf32>,
        %add3A_384 = arith.constant 4 : i32
        %add3A_385 = vector.broadcast %add3A_384 : i32 to vector<16xi32>
        %add3A_386 = arith.addi %mul3A_85, %add3A_385 : vector<16xi32>
        %gather3A_387 = tpu.vector_load_idx %arg5[%add3A_386, %add3A_91, %min3A_249] : memref<8x2x1024xf32, #tpu.memory_space<vmem>>[vector<16xi32>, vector<16xi32>, vector<16xi32>], vector<16xf32>,
        %gt3A_388 = arith.constant 0.000000e+00 : f32
        %gt3A_389 = vector.broadcast %gt3A_388 : f32 to vector<16xf32>
        %gt3A_390 = arith.cmpf ogt, %gather3A_383, %gt3A_389 : vector<16xf32>
        %jit3A_391 = arith.constant 1 : i32
        %jit3A_392 = arith.constant 0 : i32
        %broadcast_in_dim3A_393 = vector.broadcast %jit3A_391 : i32 to vector<16xi32>
        %broadcast_in_dim3A_394 = vector.broadcast %jit3A_392 : i32 to vector<16xi32>
        %select_n3A_395 = arith.select %gt3A_390, %broadcast_in_dim3A_393, %broadcast_in_dim3A_394 : vector<16xi1>, vector<16xi32>
        %or3A_396 = arith.ori %broadcast_in_dim3A_377, %select_n3A_395 : vector<16xi32>
        %gt3A_397 = arith.constant 0.000000e+00 : f32
        %gt3A_398 = vector.broadcast %gt3A_397 : f32 to vector<16xf32>
        %gt3A_399 = arith.cmpf ogt, %gather3A_387, %gt3A_398 : vector<16xf32>
        %jit3A_400 = arith.constant 1 : i32
        %jit3A_401 = arith.constant 0 : i32
        %broadcast_in_dim3A_402 = vector.broadcast %jit3A_400 : i32 to vector<16xi32>
        %broadcast_in_dim3A_403 = vector.broadcast %jit3A_401 : i32 to vector<16xi32>
        %select_n3A_404 = arith.select %gt3A_399, %broadcast_in_dim3A_402, %broadcast_in_dim3A_403 : vector<16xi1>, vector<16xi32>
        %or3A_405 = arith.ori %broadcast_in_dim3A_379, %select_n3A_404 : vector<16xi32>
        %add3A_406 = arith.constant 5 : i32
        %add3A_407 = vector.broadcast %add3A_406 : i32 to vector<16xi32>
        %add3A_408 = arith.addi %mul3A_85, %add3A_407 : vector<16xi32>
        %gather3A_409 = tpu.vector_load_idx %arg5[%add3A_408, %mul3A_85, %min3A_249] : memref<8x2x1024xf32, #tpu.memory_space<vmem>>[vector<16xi32>, vector<16xi32>, vector<16xi32>], vector<16xf32>,
        %add3A_410 = arith.constant 5 : i32
        %add3A_411 = vector.broadcast %add3A_410 : i32 to vector<16xi32>
        %add3A_412 = arith.addi %mul3A_85, %add3A_411 : vector<16xi32>
        %gather3A_413 = tpu.vector_load_idx %arg5[%add3A_412, %add3A_91, %min3A_249] : memref<8x2x1024xf32, #tpu.memory_space<vmem>>[vector<16xi32>, vector<16xi32>, vector<16xi32>], vector<16xf32>,
        %gt3A_414 = arith.constant 0.000000e+00 : f32
        %gt3A_415 = vector.broadcast %gt3A_414 : f32 to vector<16xf32>
        %gt3A_416 = arith.cmpf ogt, %gather3A_409, %gt3A_415 : vector<16xf32>
        %jit3A_417 = arith.constant 256 : i32
        %jit3A_418 = arith.constant 0 : i32
        %broadcast_in_dim3A_419 = vector.broadcast %jit3A_417 : i32 to vector<16xi32>
        %broadcast_in_dim3A_420 = vector.broadcast %jit3A_418 : i32 to vector<16xi32>
        %select_n3A_421 = arith.select %gt3A_416, %broadcast_in_dim3A_419, %broadcast_in_dim3A_420 : vector<16xi1>, vector<16xi32>
        %or3A_422 = arith.ori %or3A_396, %select_n3A_421 : vector<16xi32>
        %gt3A_423 = arith.constant 0.000000e+00 : f32
        %gt3A_424 = vector.broadcast %gt3A_423 : f32 to vector<16xf32>
        %gt3A_425 = arith.cmpf ogt, %gather3A_413, %gt3A_424 : vector<16xf32>
        %jit3A_426 = arith.constant 256 : i32
        %jit3A_427 = arith.constant 0 : i32
        %broadcast_in_dim3A_428 = vector.broadcast %jit3A_426 : i32 to vector<16xi32>
        %broadcast_in_dim3A_429 = vector.broadcast %jit3A_427 : i32 to vector<16xi32>
        %select_n3A_430 = arith.select %gt3A_425, %broadcast_in_dim3A_428, %broadcast_in_dim3A_429 : vector<16xi1>, vector<16xi32>
        %or3A_431 = arith.ori %or3A_405, %select_n3A_430 : vector<16xi32>
        %add3A_432 = arith.constant 6 : i32
        %add3A_433 = vector.broadcast %add3A_432 : i32 to vector<16xi32>
        %add3A_434 = arith.addi %mul3A_85, %add3A_433 : vector<16xi32>
        %gather3A_435 = tpu.vector_load_idx %arg5[%add3A_434, %mul3A_85, %min3A_249] : memref<8x2x1024xf32, #tpu.memory_space<vmem>>[vector<16xi32>, vector<16xi32>, vector<16xi32>], vector<16xf32>,
        %add3A_436 = arith.constant 6 : i32
        %add3A_437 = vector.broadcast %add3A_436 : i32 to vector<16xi32>
        %add3A_438 = arith.addi %mul3A_85, %add3A_437 : vector<16xi32>
        %gather3A_439 = tpu.vector_load_idx %arg5[%add3A_438, %add3A_91, %min3A_249] : memref<8x2x1024xf32, #tpu.memory_space<vmem>>[vector<16xi32>, vector<16xi32>, vector<16xi32>], vector<16xf32>,
        %gt3A_440 = arith.constant 0.000000e+00 : f32
        %gt3A_441 = vector.broadcast %gt3A_440 : f32 to vector<16xf32>
        %gt3A_442 = arith.cmpf ogt, %gather3A_435, %gt3A_441 : vector<16xf32>
        %jit3A_443 = arith.constant 65536 : i32
        %jit3A_444 = arith.constant 0 : i32
        %broadcast_in_dim3A_445 = vector.broadcast %jit3A_443 : i32 to vector<16xi32>
        %broadcast_in_dim3A_446 = vector.broadcast %jit3A_444 : i32 to vector<16xi32>
        %select_n3A_447 = arith.select %gt3A_442, %broadcast_in_dim3A_445, %broadcast_in_dim3A_446 : vector<16xi1>, vector<16xi32>
        %or3A_448 = arith.ori %or3A_422, %select_n3A_447 : vector<16xi32>
        %gt3A_449 = arith.constant 0.000000e+00 : f32
        %gt3A_450 = vector.broadcast %gt3A_449 : f32 to vector<16xf32>
        %gt3A_451 = arith.cmpf ogt, %gather3A_439, %gt3A_450 : vector<16xf32>
        %jit3A_452 = arith.constant 65536 : i32
        %jit3A_453 = arith.constant 0 : i32
        %broadcast_in_dim3A_454 = vector.broadcast %jit3A_452 : i32 to vector<16xi32>
        %broadcast_in_dim3A_455 = vector.broadcast %jit3A_453 : i32 to vector<16xi32>
        %select_n3A_456 = arith.select %gt3A_451, %broadcast_in_dim3A_454, %broadcast_in_dim3A_455 : vector<16xi1>, vector<16xi32>
        %or3A_457 = arith.ori %or3A_431, %select_n3A_456 : vector<16xi32>
        %add3A_458 = arith.constant 7 : i32
        %add3A_459 = vector.broadcast %add3A_458 : i32 to vector<16xi32>
        %add3A_460 = arith.addi %mul3A_85, %add3A_459 : vector<16xi32>
        %gather3A_461 = tpu.vector_load_idx %arg5[%add3A_460, %mul3A_85, %min3A_249] : memref<8x2x1024xf32, #tpu.memory_space<vmem>>[vector<16xi32>, vector<16xi32>, vector<16xi32>], vector<16xf32>,
        %add3A_462 = arith.constant 7 : i32
        %add3A_463 = vector.broadcast %add3A_462 : i32 to vector<16xi32>
        %add3A_464 = arith.addi %mul3A_85, %add3A_463 : vector<16xi32>
        %gather3A_465 = tpu.vector_load_idx %arg5[%add3A_464, %add3A_91, %min3A_249] : memref<8x2x1024xf32, #tpu.memory_space<vmem>>[vector<16xi32>, vector<16xi32>, vector<16xi32>], vector<16xf32>,
        %gt3A_466 = arith.constant 0.000000e+00 : f32
        %gt3A_467 = vector.broadcast %gt3A_466 : f32 to vector<16xf32>
        %gt3A_468 = arith.cmpf ogt, %gather3A_461, %gt3A_467 : vector<16xf32>
        %jit3A_469 = arith.constant 16777216 : i32
        %jit3A_470 = arith.constant 0 : i32
        %broadcast_in_dim3A_471 = vector.broadcast %jit3A_469 : i32 to vector<16xi32>
        %broadcast_in_dim3A_472 = vector.broadcast %jit3A_470 : i32 to vector<16xi32>
        %select_n3A_473 = arith.select %gt3A_468, %broadcast_in_dim3A_471, %broadcast_in_dim3A_472 : vector<16xi1>, vector<16xi32>
        %or3A_474 = arith.ori %or3A_448, %select_n3A_473 : vector<16xi32>
        %gt3A_475 = arith.constant 0.000000e+00 : f32
        %gt3A_476 = vector.broadcast %gt3A_475 : f32 to vector<16xf32>
        %gt3A_477 = arith.cmpf ogt, %gather3A_465, %gt3A_476 : vector<16xf32>
        %jit3A_478 = arith.constant 16777216 : i32
        %jit3A_479 = arith.constant 0 : i32
        %broadcast_in_dim3A_480 = vector.broadcast %jit3A_478 : i32 to vector<16xi32>
        %broadcast_in_dim3A_481 = vector.broadcast %jit3A_479 : i32 to vector<16xi32>
        %select_n3A_482 = arith.select %gt3A_477, %broadcast_in_dim3A_480, %broadcast_in_dim3A_481 : vector<16xi1>, vector<16xi32>
        %or3A_483 = arith.ori %or3A_457, %select_n3A_482 : vector<16xi32>
        tpu.vector_store_idx %arg6[%add3A_91, %sub3A_258], %or3A_474 masked %and3A_268 : memref<2x33024xi32, #tpu.memory_space<vmem>>[vector<16xi32>, vector<16xi32>], vector<16xi32>, vector<16xi1>
        %add3A_484 = arith.constant 1 : i32
        %add3A_485 = vector.broadcast %add3A_484 : i32 to vector<16xi32>
        %add3A_486 = arith.addi %sub3A_258, %add3A_485 : vector<16xi32>
        tpu.vector_store_idx %arg6[%add3A_91, %add3A_486], %or3A_483 masked %and3A_268 : memref<2x33024xi32, #tpu.memory_space<vmem>>[vector<16xi32>, vector<16xi32>], vector<16xi32>, vector<16xi1>
      }
      %scan3A_230 = arith.constant 64 : i32
    }
    %while3A_145 = arith.constant 1 : i32
    scf.for %while3A_169 = %while3A_143 to %while3A_139 step %while3A_145  : i32 {
      %mul3A_170 = arith.muli %while3A_169, %while3A : i32
      %add3A_171 = arith.addi %while3A_136, %mul3A_170 : i32
      %mul3A_172 = arith.constant 2 : i32
      %mul3A_173 = arith.muli %mul3A_172, %add3A_171 : i32
      %add3A_174 = arith.constant 0 : i32
      %add3A_175 = arith.addi %mul3A_173, %add3A_174 : i32
      %add3A_176 = arith.constant 1 : i32
      %add3A_177 = arith.addi %add3A_175, %add3A_176 : i32
      %lt3A = arith.cmpi slt, %add3A_177, %mul3A_82 : i32
      %convert_element_type3A = arith.extui %lt3A : i1 to i32
      %cond3A = arith.constant 0 : i32
      %cond3A_178 = arith.cmpi ne, %convert_element_type3A, %cond3A : i32
      scf.if %cond3A_178 {
        %add3A_231 = arith.constant 1 : i32
        %add3A_232 = arith.addi %add3A_175, %add3A_231 : i32
        %sub3A_233 = arith.constant 1 : i32
        %sub3A_234 = arith.subi %mul3A_82, %sub3A_233 : i32
        %min3A_235 = arith.minsi %add3A_232, %sub3A_234 : i32
        %add3A_236 = arith.addi %mul3A_79, %min3A_235 : i32
        %mul3A_237 = arith.constant 1024 : i32
        %mul3A_238 = arith.muli %add3A_236, %mul3A_237 : i32
        %dma_start3A_239 = arith.constant 0 : i32
        %dma_start3A_240 = arith.constant 0 : i32
        %dma_start3A_241 = tpu.memref_slice %arg2[%dma_start3A_239, %dma_start3A_240, %mul3A_238] : memref<8x2x524288xf32, #tpu.memory_space<hbm>> -> memref<8x2x1024xf32, #tpu.memory_space<hbm>>
        %dma_start3A_242 = arith.constant 0 : i32
        %dma_start3A_243 = arith.constant 0 : i32
        %dma_start3A_244 = tpu.memref_slice %arg2[%dma_start3A_242, %dma_start3A_243, %mul3A_238] : memref<8x2x524288xf32, #tpu.memory_space<hbm>> -> memref<8x2x1024xf32, #tpu.memory_space<hbm>>
        tpu.enqueue_dma source(%dma_start3A_244 : memref<8x2x1024xf32, #tpu.memory_space<hbm>>) target(%arg5 : memref<8x2x1024xf32, #tpu.memory_space<vmem>>) target_semaphore(%arg8 : memref<!tpu.dma_semaphore, #tpu.memory_space<semaphore_mem>>)
      } else {
      }
      %sub3A_179 = arith.constant 1 : i32
      %sub3A_180 = arith.subi %mul3A_82, %sub3A_179 : i32
      %min3A_181 = arith.minsi %add3A_175, %sub3A_180 : i32
      %add3A_182 = arith.addi %mul3A_79, %min3A_181 : i32
      %mul3A_183 = arith.constant 1024 : i32
      %mul3A_184 = arith.muli %add3A_182, %mul3A_183 : i32
      %dma_wait3A_185 = arith.constant 0 : i32
      %dma_wait3A_186 = arith.constant 0 : i32
      %dma_wait3A_187 = tpu.memref_slice %arg2[%dma_wait3A_185, %dma_wait3A_186, %mul3A_184] : memref<8x2x524288xf32, #tpu.memory_space<hbm>> -> memref<8x2x1024xf32, #tpu.memory_space<hbm>>
      %dma_wait3A_188 = arith.constant 0 : i32
      %dma_wait3A_189 = arith.constant 0 : i32
      %dma_wait3A_190 = tpu.memref_slice %arg2[%dma_wait3A_188, %dma_wait3A_189, %mul3A_184] : memref<8x2x524288xf32, #tpu.memory_space<hbm>> -> memref<8x2x1024xf32, #tpu.memory_space<hbm>>
      tpu.wait_dma2 semaphore(%arg7 : memref<!tpu.dma_semaphore, #tpu.memory_space<semaphore_mem>>) src(%dma_wait3A_190 : memref<8x2x1024xf32, #tpu.memory_space<hbm>>) dst(%arg4 : memref<8x2x1024xf32, #tpu.memory_space<vmem>>)
      %add3A_191 = arith.addi %mul3A_79, %add3A_175 : i32
      %shift_right_arithmetic3A = arith.constant 1 : i32
      %shift_right_arithmetic3A_192 = arith.shrsi %add3A_191, %shift_right_arithmetic3A : i32
      %and3A_193 = arith.constant 1 : i32
      %and3A_194 = arith.andi %add3A_191, %and3A_193 : i32
      %scan3A = arith.constant 0 : i32
      %scan3A_195 = arith.constant 64 : i32
      %scan3A_196 = arith.addi %scan3A, %scan3A_195 : i32
      %scan3A_197 = arith.constant 1 : i32
      scf.for %scan3A_231 = %scan3A to %scan3A_196 step %scan3A_197  : i32 {
        %mul3A_232 = arith.constant 1 : i32
        %mul3A_233 = arith.muli %scan3A_231, %mul3A_232 : i32
        %add3A_234 = arith.constant 0 : i32
        %add3A_235 = arith.addi %add3A_234, %mul3A_233 : i32
        %mul3A_236 = arith.constant 1024 : i32
        %mul3A_237 = arith.muli %and3A_194, %mul3A_236 : i32
        %mul3A_238 = arith.constant 16 : i32
        %mul3A_239 = arith.muli %add3A_235, %mul3A_238 : i32
        %add3A_240 = arith.addi %mul3A_237, %mul3A_239 : i32
        %add3A_241 = vector.broadcast %add3A_240 : i32 to vector<16xi32>
        %add3A_242 = arith.addi %add3A_241, %iota3A : vector<16xi32>
        %mul3A_243 = arith.constant 1023 : i32
        %mul3A_244 = arith.muli %mul3A_243, %and3A_194 : i32
        %sub3A_245 = vector.broadcast %mul3A_244 : i32 to vector<16xi32>
        %sub3A_246 = arith.subi %add3A_242, %sub3A_245 : vector<16xi32>
        %min3A_247 = arith.constant 1023 : i32
        %min3A_248 = vector.broadcast %min3A_247 : i32 to vector<16xi32>
        %min3A_249 = arith.minsi %sub3A_246, %min3A_248 : vector<16xi32>
        %mul3A_250 = arith.constant 4094 : i32
        %mul3A_251 = arith.muli %shift_right_arithmetic3A_192, %mul3A_250 : i32
        %mul3A_252 = arith.constant 2 : i32
        %mul3A_253 = vector.broadcast %mul3A_252 : i32 to vector<16xi32>
        %mul3A_254 = arith.muli %mul3A_253, %add3A_242 : vector<16xi32>
        %add3A_255 = vector.broadcast %mul3A_251 : i32 to vector<16xi32>
        %add3A_256 = arith.addi %add3A_255, %mul3A_254 : vector<16xi32>
        %sub3A_257 = vector.broadcast %multiple_of3A : i32 to vector<16xi32>
        %sub3A_258 = arith.subi %add3A_256, %sub3A_257 : vector<16xi32>
        %lt3A_259 = arith.constant 2047 : i32
        %lt3A_260 = vector.broadcast %lt3A_259 : i32 to vector<16xi32>
        %lt3A_261 = arith.cmpi slt, %add3A_242, %lt3A_260 : vector<16xi32>
        %ge3A = arith.constant 0 : i32
        %ge3A_262 = vector.broadcast %ge3A : i32 to vector<16xi32>
        %ge3A_263 = arith.cmpi sge, %sub3A_258, %ge3A_262 : vector<16xi32>
        %and3A_264 = arith.andi %lt3A_261, %ge3A_263 : vector<16xi1>
        %lt3A_265 = arith.constant 33024 : i32
        %lt3A_266 = vector.broadcast %lt3A_265 : i32 to vector<16xi32>
        %lt3A_267 = arith.cmpi slt, %sub3A_258, %lt3A_266 : vector<16xi32>
        %and3A_268 = arith.andi %and3A_264, %lt3A_267 : vector<16xi1>
        %broadcast_in_dim3A = arith.constant 0 : i32
        %broadcast_in_dim3A_269 = vector.broadcast %broadcast_in_dim3A : i32 to vector<16xi32>
        %broadcast_in_dim3A_270 = arith.constant 0 : i32
        %broadcast_in_dim3A_271 = vector.broadcast %broadcast_in_dim3A_270 : i32 to vector<16xi32>
        %add3A_272 = arith.constant 0 : i32
        %add3A_273 = vector.broadcast %add3A_272 : i32 to vector<16xi32>
        %add3A_274 = arith.addi %mul3A_85, %add3A_273 : vector<16xi32>
        %gather3A = tpu.vector_load_idx %arg4[%add3A_274, %mul3A_85, %min3A_249] : memref<8x2x1024xf32, #tpu.memory_space<vmem>>[vector<16xi32>, vector<16xi32>, vector<16xi32>], vector<16xf32>,
        %add3A_275 = arith.constant 0 : i32
        %add3A_276 = vector.broadcast %add3A_275 : i32 to vector<16xi32>
        %add3A_277 = arith.addi %mul3A_85, %add3A_276 : vector<16xi32>
        %gather3A_278 = tpu.vector_load_idx %arg4[%add3A_277, %add3A_91, %min3A_249] : memref<8x2x1024xf32, #tpu.memory_space<vmem>>[vector<16xi32>, vector<16xi32>, vector<16xi32>], vector<16xf32>,
        %gt3A = arith.constant 0.000000e+00 : f32
        %gt3A_279 = vector.broadcast %gt3A : f32 to vector<16xf32>
        %gt3A_280 = arith.cmpf ogt, %gather3A, %gt3A_279 : vector<16xf32>
        %jit3A_281 = arith.constant 1 : i32
        %jit3A_282 = arith.constant 0 : i32
        %broadcast_in_dim3A_283 = vector.broadcast %jit3A_281 : i32 to vector<16xi32>
        %broadcast_in_dim3A_284 = vector.broadcast %jit3A_282 : i32 to vector<16xi32>
        %select_n3A_285 = arith.select %gt3A_280, %broadcast_in_dim3A_283, %broadcast_in_dim3A_284 : vector<16xi1>, vector<16xi32>
        %or3A = arith.ori %broadcast_in_dim3A_269, %select_n3A_285 : vector<16xi32>
        %gt3A_286 = arith.constant 0.000000e+00 : f32
        %gt3A_287 = vector.broadcast %gt3A_286 : f32 to vector<16xf32>
        %gt3A_288 = arith.cmpf ogt, %gather3A_278, %gt3A_287 : vector<16xf32>
        %jit3A_289 = arith.constant 1 : i32
        %jit3A_290 = arith.constant 0 : i32
        %broadcast_in_dim3A_291 = vector.broadcast %jit3A_289 : i32 to vector<16xi32>
        %broadcast_in_dim3A_292 = vector.broadcast %jit3A_290 : i32 to vector<16xi32>
        %select_n3A_293 = arith.select %gt3A_288, %broadcast_in_dim3A_291, %broadcast_in_dim3A_292 : vector<16xi1>, vector<16xi32>
        %or3A_294 = arith.ori %broadcast_in_dim3A_271, %select_n3A_293 : vector<16xi32>
        %add3A_295 = arith.constant 1 : i32
        %add3A_296 = vector.broadcast %add3A_295 : i32 to vector<16xi32>
        %add3A_297 = arith.addi %mul3A_85, %add3A_296 : vector<16xi32>
        %gather3A_298 = tpu.vector_load_idx %arg4[%add3A_297, %mul3A_85, %min3A_249] : memref<8x2x1024xf32, #tpu.memory_space<vmem>>[vector<16xi32>, vector<16xi32>, vector<16xi32>], vector<16xf32>,
        %add3A_299 = arith.constant 1 : i32
        %add3A_300 = vector.broadcast %add3A_299 : i32 to vector<16xi32>
        %add3A_301 = arith.addi %mul3A_85, %add3A_300 : vector<16xi32>
        %gather3A_302 = tpu.vector_load_idx %arg4[%add3A_301, %add3A_91, %min3A_249] : memref<8x2x1024xf32, #tpu.memory_space<vmem>>[vector<16xi32>, vector<16xi32>, vector<16xi32>], vector<16xf32>,
        %gt3A_303 = arith.constant 0.000000e+00 : f32
        %gt3A_304 = vector.broadcast %gt3A_303 : f32 to vector<16xf32>
        %gt3A_305 = arith.cmpf ogt, %gather3A_298, %gt3A_304 : vector<16xf32>
        %jit3A_306 = arith.constant 256 : i32
        %jit3A_307 = arith.constant 0 : i32
        %broadcast_in_dim3A_308 = vector.broadcast %jit3A_306 : i32 to vector<16xi32>
        %broadcast_in_dim3A_309 = vector.broadcast %jit3A_307 : i32 to vector<16xi32>
        %select_n3A_310 = arith.select %gt3A_305, %broadcast_in_dim3A_308, %broadcast_in_dim3A_309 : vector<16xi1>, vector<16xi32>
        %or3A_311 = arith.ori %or3A, %select_n3A_310 : vector<16xi32>
        %gt3A_312 = arith.constant 0.000000e+00 : f32
        %gt3A_313 = vector.broadcast %gt3A_312 : f32 to vector<16xf32>
        %gt3A_314 = arith.cmpf ogt, %gather3A_302, %gt3A_313 : vector<16xf32>
        %jit3A_315 = arith.constant 256 : i32
        %jit3A_316 = arith.constant 0 : i32
        %broadcast_in_dim3A_317 = vector.broadcast %jit3A_315 : i32 to vector<16xi32>
        %broadcast_in_dim3A_318 = vector.broadcast %jit3A_316 : i32 to vector<16xi32>
        %select_n3A_319 = arith.select %gt3A_314, %broadcast_in_dim3A_317, %broadcast_in_dim3A_318 : vector<16xi1>, vector<16xi32>
        %or3A_320 = arith.ori %or3A_294, %select_n3A_319 : vector<16xi32>
        %add3A_321 = arith.constant 2 : i32
        %add3A_322 = vector.broadcast %add3A_321 : i32 to vector<16xi32>
        %add3A_323 = arith.addi %mul3A_85, %add3A_322 : vector<16xi32>
        %gather3A_324 = tpu.vector_load_idx %arg4[%add3A_323, %mul3A_85, %min3A_249] : memref<8x2x1024xf32, #tpu.memory_space<vmem>>[vector<16xi32>, vector<16xi32>, vector<16xi32>], vector<16xf32>,
        %add3A_325 = arith.constant 2 : i32
        %add3A_326 = vector.broadcast %add3A_325 : i32 to vector<16xi32>
        %add3A_327 = arith.addi %mul3A_85, %add3A_326 : vector<16xi32>
        %gather3A_328 = tpu.vector_load_idx %arg4[%add3A_327, %add3A_91, %min3A_249] : memref<8x2x1024xf32, #tpu.memory_space<vmem>>[vector<16xi32>, vector<16xi32>, vector<16xi32>], vector<16xf32>,
        %gt3A_329 = arith.constant 0.000000e+00 : f32
        %gt3A_330 = vector.broadcast %gt3A_329 : f32 to vector<16xf32>
        %gt3A_331 = arith.cmpf ogt, %gather3A_324, %gt3A_330 : vector<16xf32>
        %jit3A_332 = arith.constant 65536 : i32
        %jit3A_333 = arith.constant 0 : i32
        %broadcast_in_dim3A_334 = vector.broadcast %jit3A_332 : i32 to vector<16xi32>
        %broadcast_in_dim3A_335 = vector.broadcast %jit3A_333 : i32 to vector<16xi32>
        %select_n3A_336 = arith.select %gt3A_331, %broadcast_in_dim3A_334, %broadcast_in_dim3A_335 : vector<16xi1>, vector<16xi32>
        %or3A_337 = arith.ori %or3A_311, %select_n3A_336 : vector<16xi32>
        %gt3A_338 = arith.constant 0.000000e+00 : f32
        %gt3A_339 = vector.broadcast %gt3A_338 : f32 to vector<16xf32>
        %gt3A_340 = arith.cmpf ogt, %gather3A_328, %gt3A_339 : vector<16xf32>
        %jit3A_341 = arith.constant 65536 : i32
        %jit3A_342 = arith.constant 0 : i32
        %broadcast_in_dim3A_343 = vector.broadcast %jit3A_341 : i32 to vector<16xi32>
        %broadcast_in_dim3A_344 = vector.broadcast %jit3A_342 : i32 to vector<16xi32>
        %select_n3A_345 = arith.select %gt3A_340, %broadcast_in_dim3A_343, %broadcast_in_dim3A_344 : vector<16xi1>, vector<16xi32>
        %or3A_346 = arith.ori %or3A_320, %select_n3A_345 : vector<16xi32>
        %add3A_347 = arith.constant 3 : i32
        %add3A_348 = vector.broadcast %add3A_347 : i32 to vector<16xi32>
        %add3A_349 = arith.addi %mul3A_85, %add3A_348 : vector<16xi32>
        %gather3A_350 = tpu.vector_load_idx %arg4[%add3A_349, %mul3A_85, %min3A_249] : memref<8x2x1024xf32, #tpu.memory_space<vmem>>[vector<16xi32>, vector<16xi32>, vector<16xi32>], vector<16xf32>,
        %add3A_351 = arith.constant 3 : i32
        %add3A_352 = vector.broadcast %add3A_351 : i32 to vector<16xi32>
        %add3A_353 = arith.addi %mul3A_85, %add3A_352 : vector<16xi32>
        %gather3A_354 = tpu.vector_load_idx %arg4[%add3A_353, %add3A_91, %min3A_249] : memref<8x2x1024xf32, #tpu.memory_space<vmem>>[vector<16xi32>, vector<16xi32>, vector<16xi32>], vector<16xf32>,
        %gt3A_355 = arith.constant 0.000000e+00 : f32
        %gt3A_356 = vector.broadcast %gt3A_355 : f32 to vector<16xf32>
        %gt3A_357 = arith.cmpf ogt, %gather3A_350, %gt3A_356 : vector<16xf32>
        %jit3A_358 = arith.constant 16777216 : i32
        %jit3A_359 = arith.constant 0 : i32
        %broadcast_in_dim3A_360 = vector.broadcast %jit3A_358 : i32 to vector<16xi32>
        %broadcast_in_dim3A_361 = vector.broadcast %jit3A_359 : i32 to vector<16xi32>
        %select_n3A_362 = arith.select %gt3A_357, %broadcast_in_dim3A_360, %broadcast_in_dim3A_361 : vector<16xi1>, vector<16xi32>
        %or3A_363 = arith.ori %or3A_337, %select_n3A_362 : vector<16xi32>
        %gt3A_364 = arith.constant 0.000000e+00 : f32
        %gt3A_365 = vector.broadcast %gt3A_364 : f32 to vector<16xf32>
        %gt3A_366 = arith.cmpf ogt, %gather3A_354, %gt3A_365 : vector<16xf32>
        %jit3A_367 = arith.constant 16777216 : i32
        %jit3A_368 = arith.constant 0 : i32
        %broadcast_in_dim3A_369 = vector.broadcast %jit3A_367 : i32 to vector<16xi32>
        %broadcast_in_dim3A_370 = vector.broadcast %jit3A_368 : i32 to vector<16xi32>
        %select_n3A_371 = arith.select %gt3A_366, %broadcast_in_dim3A_369, %broadcast_in_dim3A_370 : vector<16xi1>, vector<16xi32>
        %or3A_372 = arith.ori %or3A_346, %select_n3A_371 : vector<16xi32>
        tpu.vector_store_idx %arg6[%mul3A_85, %sub3A_258], %or3A_363 masked %and3A_268 : memref<2x33024xi32, #tpu.memory_space<vmem>>[vector<16xi32>, vector<16xi32>], vector<16xi32>, vector<16xi1>
        %add3A_373 = arith.constant 1 : i32
        %add3A_374 = vector.broadcast %add3A_373 : i32 to vector<16xi32>
        %add3A_375 = arith.addi %sub3A_258, %add3A_374 : vector<16xi32>
        tpu.vector_store_idx %arg6[%mul3A_85, %add3A_375], %or3A_372 masked %and3A_268 : memref<2x33024xi32, #tpu.memory_space<vmem>>[vector<16xi32>, vector<16xi32>], vector<16xi32>, vector<16xi1>
        %broadcast_in_dim3A_376 = arith.constant 0 : i32
        %broadcast_in_dim3A_377 = vector.broadcast %broadcast_in_dim3A_376 : i32 to vector<16xi32>
        %broadcast_in_dim3A_378 = arith.constant 0 : i32
        %broadcast_in_dim3A_379 = vector.broadcast %broadcast_in_dim3A_378 : i32 to vector<16xi32>
        %add3A_380 = arith.constant 4 : i32
        %add3A_381 = vector.broadcast %add3A_380 : i32 to vector<16xi32>
        %add3A_382 = arith.addi %mul3A_85, %add3A_381 : vector<16xi32>
        %gather3A_383 = tpu.vector_load_idx %arg4[%add3A_382, %mul3A_85, %min3A_249] : memref<8x2x1024xf32, #tpu.memory_space<vmem>>[vector<16xi32>, vector<16xi32>, vector<16xi32>], vector<16xf32>,
        %add3A_384 = arith.constant 4 : i32
        %add3A_385 = vector.broadcast %add3A_384 : i32 to vector<16xi32>
        %add3A_386 = arith.addi %mul3A_85, %add3A_385 : vector<16xi32>
        %gather3A_387 = tpu.vector_load_idx %arg4[%add3A_386, %add3A_91, %min3A_249] : memref<8x2x1024xf32, #tpu.memory_space<vmem>>[vector<16xi32>, vector<16xi32>, vector<16xi32>], vector<16xf32>,
        %gt3A_388 = arith.constant 0.000000e+00 : f32
        %gt3A_389 = vector.broadcast %gt3A_388 : f32 to vector<16xf32>
        %gt3A_390 = arith.cmpf ogt, %gather3A_383, %gt3A_389 : vector<16xf32>
        %jit3A_391 = arith.constant 1 : i32
        %jit3A_392 = arith.constant 0 : i32
        %broadcast_in_dim3A_393 = vector.broadcast %jit3A_391 : i32 to vector<16xi32>
        %broadcast_in_dim3A_394 = vector.broadcast %jit3A_392 : i32 to vector<16xi32>
        %select_n3A_395 = arith.select %gt3A_390, %broadcast_in_dim3A_393, %broadcast_in_dim3A_394 : vector<16xi1>, vector<16xi32>
        %or3A_396 = arith.ori %broadcast_in_dim3A_377, %select_n3A_395 : vector<16xi32>
        %gt3A_397 = arith.constant 0.000000e+00 : f32
        %gt3A_398 = vector.broadcast %gt3A_397 : f32 to vector<16xf32>
        %gt3A_399 = arith.cmpf ogt, %gather3A_387, %gt3A_398 : vector<16xf32>
        %jit3A_400 = arith.constant 1 : i32
        %jit3A_401 = arith.constant 0 : i32
        %broadcast_in_dim3A_402 = vector.broadcast %jit3A_400 : i32 to vector<16xi32>
        %broadcast_in_dim3A_403 = vector.broadcast %jit3A_401 : i32 to vector<16xi32>
        %select_n3A_404 = arith.select %gt3A_399, %broadcast_in_dim3A_402, %broadcast_in_dim3A_403 : vector<16xi1>, vector<16xi32>
        %or3A_405 = arith.ori %broadcast_in_dim3A_379, %select_n3A_404 : vector<16xi32>
        %add3A_406 = arith.constant 5 : i32
        %add3A_407 = vector.broadcast %add3A_406 : i32 to vector<16xi32>
        %add3A_408 = arith.addi %mul3A_85, %add3A_407 : vector<16xi32>
        %gather3A_409 = tpu.vector_load_idx %arg4[%add3A_408, %mul3A_85, %min3A_249] : memref<8x2x1024xf32, #tpu.memory_space<vmem>>[vector<16xi32>, vector<16xi32>, vector<16xi32>], vector<16xf32>,
        %add3A_410 = arith.constant 5 : i32
        %add3A_411 = vector.broadcast %add3A_410 : i32 to vector<16xi32>
        %add3A_412 = arith.addi %mul3A_85, %add3A_411 : vector<16xi32>
        %gather3A_413 = tpu.vector_load_idx %arg4[%add3A_412, %add3A_91, %min3A_249] : memref<8x2x1024xf32, #tpu.memory_space<vmem>>[vector<16xi32>, vector<16xi32>, vector<16xi32>], vector<16xf32>,
        %gt3A_414 = arith.constant 0.000000e+00 : f32
        %gt3A_415 = vector.broadcast %gt3A_414 : f32 to vector<16xf32>
        %gt3A_416 = arith.cmpf ogt, %gather3A_409, %gt3A_415 : vector<16xf32>
        %jit3A_417 = arith.constant 256 : i32
        %jit3A_418 = arith.constant 0 : i32
        %broadcast_in_dim3A_419 = vector.broadcast %jit3A_417 : i32 to vector<16xi32>
        %broadcast_in_dim3A_420 = vector.broadcast %jit3A_418 : i32 to vector<16xi32>
        %select_n3A_421 = arith.select %gt3A_416, %broadcast_in_dim3A_419, %broadcast_in_dim3A_420 : vector<16xi1>, vector<16xi32>
        %or3A_422 = arith.ori %or3A_396, %select_n3A_421 : vector<16xi32>
        %gt3A_423 = arith.constant 0.000000e+00 : f32
        %gt3A_424 = vector.broadcast %gt3A_423 : f32 to vector<16xf32>
        %gt3A_425 = arith.cmpf ogt, %gather3A_413, %gt3A_424 : vector<16xf32>
        %jit3A_426 = arith.constant 256 : i32
        %jit3A_427 = arith.constant 0 : i32
        %broadcast_in_dim3A_428 = vector.broadcast %jit3A_426 : i32 to vector<16xi32>
        %broadcast_in_dim3A_429 = vector.broadcast %jit3A_427 : i32 to vector<16xi32>
        %select_n3A_430 = arith.select %gt3A_425, %broadcast_in_dim3A_428, %broadcast_in_dim3A_429 : vector<16xi1>, vector<16xi32>
        %or3A_431 = arith.ori %or3A_405, %select_n3A_430 : vector<16xi32>
        %add3A_432 = arith.constant 6 : i32
        %add3A_433 = vector.broadcast %add3A_432 : i32 to vector<16xi32>
        %add3A_434 = arith.addi %mul3A_85, %add3A_433 : vector<16xi32>
        %gather3A_435 = tpu.vector_load_idx %arg4[%add3A_434, %mul3A_85, %min3A_249] : memref<8x2x1024xf32, #tpu.memory_space<vmem>>[vector<16xi32>, vector<16xi32>, vector<16xi32>], vector<16xf32>,
        %add3A_436 = arith.constant 6 : i32
        %add3A_437 = vector.broadcast %add3A_436 : i32 to vector<16xi32>
        %add3A_438 = arith.addi %mul3A_85, %add3A_437 : vector<16xi32>
        %gather3A_439 = tpu.vector_load_idx %arg4[%add3A_438, %add3A_91, %min3A_249] : memref<8x2x1024xf32, #tpu.memory_space<vmem>>[vector<16xi32>, vector<16xi32>, vector<16xi32>], vector<16xf32>,
        %gt3A_440 = arith.constant 0.000000e+00 : f32
        %gt3A_441 = vector.broadcast %gt3A_440 : f32 to vector<16xf32>
        %gt3A_442 = arith.cmpf ogt, %gather3A_435, %gt3A_441 : vector<16xf32>
        %jit3A_443 = arith.constant 65536 : i32
        %jit3A_444 = arith.constant 0 : i32
        %broadcast_in_dim3A_445 = vector.broadcast %jit3A_443 : i32 to vector<16xi32>
        %broadcast_in_dim3A_446 = vector.broadcast %jit3A_444 : i32 to vector<16xi32>
        %select_n3A_447 = arith.select %gt3A_442, %broadcast_in_dim3A_445, %broadcast_in_dim3A_446 : vector<16xi1>, vector<16xi32>
        %or3A_448 = arith.ori %or3A_422, %select_n3A_447 : vector<16xi32>
        %gt3A_449 = arith.constant 0.000000e+00 : f32
        %gt3A_450 = vector.broadcast %gt3A_449 : f32 to vector<16xf32>
        %gt3A_451 = arith.cmpf ogt, %gather3A_439, %gt3A_450 : vector<16xf32>
        %jit3A_452 = arith.constant 65536 : i32
        %jit3A_453 = arith.constant 0 : i32
        %broadcast_in_dim3A_454 = vector.broadcast %jit3A_452 : i32 to vector<16xi32>
        %broadcast_in_dim3A_455 = vector.broadcast %jit3A_453 : i32 to vector<16xi32>
        %select_n3A_456 = arith.select %gt3A_451, %broadcast_in_dim3A_454, %broadcast_in_dim3A_455 : vector<16xi1>, vector<16xi32>
        %or3A_457 = arith.ori %or3A_431, %select_n3A_456 : vector<16xi32>
        %add3A_458 = arith.constant 7 : i32
        %add3A_459 = vector.broadcast %add3A_458 : i32 to vector<16xi32>
        %add3A_460 = arith.addi %mul3A_85, %add3A_459 : vector<16xi32>
        %gather3A_461 = tpu.vector_load_idx %arg4[%add3A_460, %mul3A_85, %min3A_249] : memref<8x2x1024xf32, #tpu.memory_space<vmem>>[vector<16xi32>, vector<16xi32>, vector<16xi32>], vector<16xf32>,
        %add3A_462 = arith.constant 7 : i32
        %add3A_463 = vector.broadcast %add3A_462 : i32 to vector<16xi32>
        %add3A_464 = arith.addi %mul3A_85, %add3A_463 : vector<16xi32>
        %gather3A_465 = tpu.vector_load_idx %arg4[%add3A_464, %add3A_91, %min3A_249] : memref<8x2x1024xf32, #tpu.memory_space<vmem>>[vector<16xi32>, vector<16xi32>, vector<16xi32>], vector<16xf32>,
        %gt3A_466 = arith.constant 0.000000e+00 : f32
        %gt3A_467 = vector.broadcast %gt3A_466 : f32 to vector<16xf32>
        %gt3A_468 = arith.cmpf ogt, %gather3A_461, %gt3A_467 : vector<16xf32>
        %jit3A_469 = arith.constant 16777216 : i32
        %jit3A_470 = arith.constant 0 : i32
        %broadcast_in_dim3A_471 = vector.broadcast %jit3A_469 : i32 to vector<16xi32>
        %broadcast_in_dim3A_472 = vector.broadcast %jit3A_470 : i32 to vector<16xi32>
        %select_n3A_473 = arith.select %gt3A_468, %broadcast_in_dim3A_471, %broadcast_in_dim3A_472 : vector<16xi1>, vector<16xi32>
        %or3A_474 = arith.ori %or3A_448, %select_n3A_473 : vector<16xi32>
        %gt3A_475 = arith.constant 0.000000e+00 : f32
        %gt3A_476 = vector.broadcast %gt3A_475 : f32 to vector<16xf32>
        %gt3A_477 = arith.cmpf ogt, %gather3A_465, %gt3A_476 : vector<16xf32>
        %jit3A_478 = arith.constant 16777216 : i32
        %jit3A_479 = arith.constant 0 : i32
        %broadcast_in_dim3A_480 = vector.broadcast %jit3A_478 : i32 to vector<16xi32>
        %broadcast_in_dim3A_481 = vector.broadcast %jit3A_479 : i32 to vector<16xi32>
        %select_n3A_482 = arith.select %gt3A_477, %broadcast_in_dim3A_480, %broadcast_in_dim3A_481 : vector<16xi1>, vector<16xi32>
        %or3A_483 = arith.ori %or3A_457, %select_n3A_482 : vector<16xi32>
        tpu.vector_store_idx %arg6[%add3A_91, %sub3A_258], %or3A_474 masked %and3A_268 : memref<2x33024xi32, #tpu.memory_space<vmem>>[vector<16xi32>, vector<16xi32>], vector<16xi32>, vector<16xi1>
        %add3A_484 = arith.constant 1 : i32
        %add3A_485 = vector.broadcast %add3A_484 : i32 to vector<16xi32>
        %add3A_486 = arith.addi %sub3A_258, %add3A_485 : vector<16xi32>
        tpu.vector_store_idx %arg6[%add3A_91, %add3A_486], %or3A_483 masked %and3A_268 : memref<2x33024xi32, #tpu.memory_space<vmem>>[vector<16xi32>, vector<16xi32>], vector<16xi32>, vector<16xi1>
      }
      %scan3A_198 = arith.constant 64 : i32
      %mul3A_199 = arith.constant 2 : i32
      %mul3A_200 = arith.muli %mul3A_199, %add3A_171 : i32
      %add3A_201 = arith.constant 1 : i32
      %add3A_202 = arith.addi %mul3A_200, %add3A_201 : i32
      %add3A_203 = arith.constant 1 : i32
      %add3A_204 = arith.addi %add3A_202, %add3A_203 : i32
      %lt3A_205 = arith.cmpi slt, %add3A_204, %mul3A_82 : i32
      %convert_element_type3A_206 = arith.extui %lt3A_205 : i1 to i32
      %cond3A_207 = arith.constant 0 : i32
      %cond3A_208 = arith.cmpi ne, %convert_element_type3A_206, %cond3A_207 : i32
      scf.if %cond3A_208 {
        %add3A_231 = arith.constant 1 : i32
        %add3A_232 = arith.addi %add3A_202, %add3A_231 : i32
        %sub3A_233 = arith.constant 1 : i32
        %sub3A_234 = arith.subi %mul3A_82, %sub3A_233 : i32
        %min3A_235 = arith.minsi %add3A_232, %sub3A_234 : i32
        %add3A_236 = arith.addi %mul3A_79, %min3A_235 : i32
        %mul3A_237 = arith.constant 1024 : i32
        %mul3A_238 = arith.muli %add3A_236, %mul3A_237 : i32
        %dma_start3A_239 = arith.constant 0 : i32
        %dma_start3A_240 = arith.constant 0 : i32
        %dma_start3A_241 = tpu.memref_slice %arg2[%dma_start3A_239, %dma_start3A_240, %mul3A_238] : memref<8x2x524288xf32, #tpu.memory_space<hbm>> -> memref<8x2x1024xf32, #tpu.memory_space<hbm>>
        %dma_start3A_242 = arith.constant 0 : i32
        %dma_start3A_243 = arith.constant 0 : i32
        %dma_start3A_244 = tpu.memref_slice %arg2[%dma_start3A_242, %dma_start3A_243, %mul3A_238] : memref<8x2x524288xf32, #tpu.memory_space<hbm>> -> memref<8x2x1024xf32, #tpu.memory_space<hbm>>
        tpu.enqueue_dma source(%dma_start3A_244 : memref<8x2x1024xf32, #tpu.memory_space<hbm>>) target(%arg4 : memref<8x2x1024xf32, #tpu.memory_space<vmem>>) target_semaphore(%arg7 : memref<!tpu.dma_semaphore, #tpu.memory_space<semaphore_mem>>)
      } else {
      }
      %sub3A_209 = arith.constant 1 : i32
      %sub3A_210 = arith.subi %mul3A_82, %sub3A_209 : i32
      %min3A_211 = arith.minsi %add3A_202, %sub3A_210 : i32
      %add3A_212 = arith.addi %mul3A_79, %min3A_211 : i32
      %mul3A_213 = arith.constant 1024 : i32
      %mul3A_214 = arith.muli %add3A_212, %mul3A_213 : i32
      %dma_wait3A_215 = arith.constant 0 : i32
      %dma_wait3A_216 = arith.constant 0 : i32
      %dma_wait3A_217 = tpu.memref_slice %arg2[%dma_wait3A_215, %dma_wait3A_216, %mul3A_214] : memref<8x2x524288xf32, #tpu.memory_space<hbm>> -> memref<8x2x1024xf32, #tpu.memory_space<hbm>>
      %dma_wait3A_218 = arith.constant 0 : i32
      %dma_wait3A_219 = arith.constant 0 : i32
      %dma_wait3A_220 = tpu.memref_slice %arg2[%dma_wait3A_218, %dma_wait3A_219, %mul3A_214] : memref<8x2x524288xf32, #tpu.memory_space<hbm>> -> memref<8x2x1024xf32, #tpu.memory_space<hbm>>
      tpu.wait_dma2 semaphore(%arg8 : memref<!tpu.dma_semaphore, #tpu.memory_space<semaphore_mem>>) src(%dma_wait3A_220 : memref<8x2x1024xf32, #tpu.memory_space<hbm>>) dst(%arg5 : memref<8x2x1024xf32, #tpu.memory_space<vmem>>)
      %add3A_221 = arith.addi %mul3A_79, %add3A_202 : i32
      %shift_right_arithmetic3A_222 = arith.constant 1 : i32
      %shift_right_arithmetic3A_223 = arith.shrsi %add3A_221, %shift_right_arithmetic3A_222 : i32
      %and3A_224 = arith.constant 1 : i32
      %and3A_225 = arith.andi %add3A_221, %and3A_224 : i32
      %scan3A_226 = arith.constant 0 : i32
      %scan3A_227 = arith.constant 64 : i32
      %scan3A_228 = arith.addi %scan3A_226, %scan3A_227 : i32
      %scan3A_229 = arith.constant 1 : i32
      scf.for %scan3A_231 = %scan3A_226 to %scan3A_228 step %scan3A_229  : i32 {
        %mul3A_232 = arith.constant 1 : i32
        %mul3A_233 = arith.muli %scan3A_231, %mul3A_232 : i32
        %add3A_234 = arith.constant 0 : i32
        %add3A_235 = arith.addi %add3A_234, %mul3A_233 : i32
        %mul3A_236 = arith.constant 1024 : i32
        %mul3A_237 = arith.muli %and3A_225, %mul3A_236 : i32
        %mul3A_238 = arith.constant 16 : i32
        %mul3A_239 = arith.muli %add3A_235, %mul3A_238 : i32
        %add3A_240 = arith.addi %mul3A_237, %mul3A_239 : i32
        %add3A_241 = vector.broadcast %add3A_240 : i32 to vector<16xi32>
        %add3A_242 = arith.addi %add3A_241, %iota3A : vector<16xi32>
        %mul3A_243 = arith.constant 1023 : i32
        %mul3A_244 = arith.muli %mul3A_243, %and3A_225 : i32
        %sub3A_245 = vector.broadcast %mul3A_244 : i32 to vector<16xi32>
        %sub3A_246 = arith.subi %add3A_242, %sub3A_245 : vector<16xi32>
        %min3A_247 = arith.constant 1023 : i32
        %min3A_248 = vector.broadcast %min3A_247 : i32 to vector<16xi32>
        %min3A_249 = arith.minsi %sub3A_246, %min3A_248 : vector<16xi32>
        %mul3A_250 = arith.constant 4094 : i32
        %mul3A_251 = arith.muli %shift_right_arithmetic3A_223, %mul3A_250 : i32
        %mul3A_252 = arith.constant 2 : i32
        %mul3A_253 = vector.broadcast %mul3A_252 : i32 to vector<16xi32>
        %mul3A_254 = arith.muli %mul3A_253, %add3A_242 : vector<16xi32>
        %add3A_255 = vector.broadcast %mul3A_251 : i32 to vector<16xi32>
        %add3A_256 = arith.addi %add3A_255, %mul3A_254 : vector<16xi32>
        %sub3A_257 = vector.broadcast %multiple_of3A : i32 to vector<16xi32>
        %sub3A_258 = arith.subi %add3A_256, %sub3A_257 : vector<16xi32>
        %lt3A_259 = arith.constant 2047 : i32
        %lt3A_260 = vector.broadcast %lt3A_259 : i32 to vector<16xi32>
        %lt3A_261 = arith.cmpi slt, %add3A_242, %lt3A_260 : vector<16xi32>
        %ge3A = arith.constant 0 : i32
        %ge3A_262 = vector.broadcast %ge3A : i32 to vector<16xi32>
        %ge3A_263 = arith.cmpi sge, %sub3A_258, %ge3A_262 : vector<16xi32>
        %and3A_264 = arith.andi %lt3A_261, %ge3A_263 : vector<16xi1>
        %lt3A_265 = arith.constant 33024 : i32
        %lt3A_266 = vector.broadcast %lt3A_265 : i32 to vector<16xi32>
        %lt3A_267 = arith.cmpi slt, %sub3A_258, %lt3A_266 : vector<16xi32>
        %and3A_268 = arith.andi %and3A_264, %lt3A_267 : vector<16xi1>
        %broadcast_in_dim3A = arith.constant 0 : i32
        %broadcast_in_dim3A_269 = vector.broadcast %broadcast_in_dim3A : i32 to vector<16xi32>
        %broadcast_in_dim3A_270 = arith.constant 0 : i32
        %broadcast_in_dim3A_271 = vector.broadcast %broadcast_in_dim3A_270 : i32 to vector<16xi32>
        %add3A_272 = arith.constant 0 : i32
        %add3A_273 = vector.broadcast %add3A_272 : i32 to vector<16xi32>
        %add3A_274 = arith.addi %mul3A_85, %add3A_273 : vector<16xi32>
        %gather3A = tpu.vector_load_idx %arg5[%add3A_274, %mul3A_85, %min3A_249] : memref<8x2x1024xf32, #tpu.memory_space<vmem>>[vector<16xi32>, vector<16xi32>, vector<16xi32>], vector<16xf32>,
        %add3A_275 = arith.constant 0 : i32
        %add3A_276 = vector.broadcast %add3A_275 : i32 to vector<16xi32>
        %add3A_277 = arith.addi %mul3A_85, %add3A_276 : vector<16xi32>
        %gather3A_278 = tpu.vector_load_idx %arg5[%add3A_277, %add3A_91, %min3A_249] : memref<8x2x1024xf32, #tpu.memory_space<vmem>>[vector<16xi32>, vector<16xi32>, vector<16xi32>], vector<16xf32>,
        %gt3A = arith.constant 0.000000e+00 : f32
        %gt3A_279 = vector.broadcast %gt3A : f32 to vector<16xf32>
        %gt3A_280 = arith.cmpf ogt, %gather3A, %gt3A_279 : vector<16xf32>
        %jit3A_281 = arith.constant 1 : i32
        %jit3A_282 = arith.constant 0 : i32
        %broadcast_in_dim3A_283 = vector.broadcast %jit3A_281 : i32 to vector<16xi32>
        %broadcast_in_dim3A_284 = vector.broadcast %jit3A_282 : i32 to vector<16xi32>
        %select_n3A_285 = arith.select %gt3A_280, %broadcast_in_dim3A_283, %broadcast_in_dim3A_284 : vector<16xi1>, vector<16xi32>
        %or3A = arith.ori %broadcast_in_dim3A_269, %select_n3A_285 : vector<16xi32>
        %gt3A_286 = arith.constant 0.000000e+00 : f32
        %gt3A_287 = vector.broadcast %gt3A_286 : f32 to vector<16xf32>
        %gt3A_288 = arith.cmpf ogt, %gather3A_278, %gt3A_287 : vector<16xf32>
        %jit3A_289 = arith.constant 1 : i32
        %jit3A_290 = arith.constant 0 : i32
        %broadcast_in_dim3A_291 = vector.broadcast %jit3A_289 : i32 to vector<16xi32>
        %broadcast_in_dim3A_292 = vector.broadcast %jit3A_290 : i32 to vector<16xi32>
        %select_n3A_293 = arith.select %gt3A_288, %broadcast_in_dim3A_291, %broadcast_in_dim3A_292 : vector<16xi1>, vector<16xi32>
        %or3A_294 = arith.ori %broadcast_in_dim3A_271, %select_n3A_293 : vector<16xi32>
        %add3A_295 = arith.constant 1 : i32
        %add3A_296 = vector.broadcast %add3A_295 : i32 to vector<16xi32>
        %add3A_297 = arith.addi %mul3A_85, %add3A_296 : vector<16xi32>
        %gather3A_298 = tpu.vector_load_idx %arg5[%add3A_297, %mul3A_85, %min3A_249] : memref<8x2x1024xf32, #tpu.memory_space<vmem>>[vector<16xi32>, vector<16xi32>, vector<16xi32>], vector<16xf32>,
        %add3A_299 = arith.constant 1 : i32
        %add3A_300 = vector.broadcast %add3A_299 : i32 to vector<16xi32>
        %add3A_301 = arith.addi %mul3A_85, %add3A_300 : vector<16xi32>
        %gather3A_302 = tpu.vector_load_idx %arg5[%add3A_301, %add3A_91, %min3A_249] : memref<8x2x1024xf32, #tpu.memory_space<vmem>>[vector<16xi32>, vector<16xi32>, vector<16xi32>], vector<16xf32>,
        %gt3A_303 = arith.constant 0.000000e+00 : f32
        %gt3A_304 = vector.broadcast %gt3A_303 : f32 to vector<16xf32>
        %gt3A_305 = arith.cmpf ogt, %gather3A_298, %gt3A_304 : vector<16xf32>
        %jit3A_306 = arith.constant 256 : i32
        %jit3A_307 = arith.constant 0 : i32
        %broadcast_in_dim3A_308 = vector.broadcast %jit3A_306 : i32 to vector<16xi32>
        %broadcast_in_dim3A_309 = vector.broadcast %jit3A_307 : i32 to vector<16xi32>
        %select_n3A_310 = arith.select %gt3A_305, %broadcast_in_dim3A_308, %broadcast_in_dim3A_309 : vector<16xi1>, vector<16xi32>
        %or3A_311 = arith.ori %or3A, %select_n3A_310 : vector<16xi32>
        %gt3A_312 = arith.constant 0.000000e+00 : f32
        %gt3A_313 = vector.broadcast %gt3A_312 : f32 to vector<16xf32>
        %gt3A_314 = arith.cmpf ogt, %gather3A_302, %gt3A_313 : vector<16xf32>
        %jit3A_315 = arith.constant 256 : i32
        %jit3A_316 = arith.constant 0 : i32
        %broadcast_in_dim3A_317 = vector.broadcast %jit3A_315 : i32 to vector<16xi32>
        %broadcast_in_dim3A_318 = vector.broadcast %jit3A_316 : i32 to vector<16xi32>
        %select_n3A_319 = arith.select %gt3A_314, %broadcast_in_dim3A_317, %broadcast_in_dim3A_318 : vector<16xi1>, vector<16xi32>
        %or3A_320 = arith.ori %or3A_294, %select_n3A_319 : vector<16xi32>
        %add3A_321 = arith.constant 2 : i32
        %add3A_322 = vector.broadcast %add3A_321 : i32 to vector<16xi32>
        %add3A_323 = arith.addi %mul3A_85, %add3A_322 : vector<16xi32>
        %gather3A_324 = tpu.vector_load_idx %arg5[%add3A_323, %mul3A_85, %min3A_249] : memref<8x2x1024xf32, #tpu.memory_space<vmem>>[vector<16xi32>, vector<16xi32>, vector<16xi32>], vector<16xf32>,
        %add3A_325 = arith.constant 2 : i32
        %add3A_326 = vector.broadcast %add3A_325 : i32 to vector<16xi32>
        %add3A_327 = arith.addi %mul3A_85, %add3A_326 : vector<16xi32>
        %gather3A_328 = tpu.vector_load_idx %arg5[%add3A_327, %add3A_91, %min3A_249] : memref<8x2x1024xf32, #tpu.memory_space<vmem>>[vector<16xi32>, vector<16xi32>, vector<16xi32>], vector<16xf32>,
        %gt3A_329 = arith.constant 0.000000e+00 : f32
        %gt3A_330 = vector.broadcast %gt3A_329 : f32 to vector<16xf32>
        %gt3A_331 = arith.cmpf ogt, %gather3A_324, %gt3A_330 : vector<16xf32>
        %jit3A_332 = arith.constant 65536 : i32
        %jit3A_333 = arith.constant 0 : i32
        %broadcast_in_dim3A_334 = vector.broadcast %jit3A_332 : i32 to vector<16xi32>
        %broadcast_in_dim3A_335 = vector.broadcast %jit3A_333 : i32 to vector<16xi32>
        %select_n3A_336 = arith.select %gt3A_331, %broadcast_in_dim3A_334, %broadcast_in_dim3A_335 : vector<16xi1>, vector<16xi32>
        %or3A_337 = arith.ori %or3A_311, %select_n3A_336 : vector<16xi32>
        %gt3A_338 = arith.constant 0.000000e+00 : f32
        %gt3A_339 = vector.broadcast %gt3A_338 : f32 to vector<16xf32>
        %gt3A_340 = arith.cmpf ogt, %gather3A_328, %gt3A_339 : vector<16xf32>
        %jit3A_341 = arith.constant 65536 : i32
        %jit3A_342 = arith.constant 0 : i32
        %broadcast_in_dim3A_343 = vector.broadcast %jit3A_341 : i32 to vector<16xi32>
        %broadcast_in_dim3A_344 = vector.broadcast %jit3A_342 : i32 to vector<16xi32>
        %select_n3A_345 = arith.select %gt3A_340, %broadcast_in_dim3A_343, %broadcast_in_dim3A_344 : vector<16xi1>, vector<16xi32>
        %or3A_346 = arith.ori %or3A_320, %select_n3A_345 : vector<16xi32>
        %add3A_347 = arith.constant 3 : i32
        %add3A_348 = vector.broadcast %add3A_347 : i32 to vector<16xi32>
        %add3A_349 = arith.addi %mul3A_85, %add3A_348 : vector<16xi32>
        %gather3A_350 = tpu.vector_load_idx %arg5[%add3A_349, %mul3A_85, %min3A_249] : memref<8x2x1024xf32, #tpu.memory_space<vmem>>[vector<16xi32>, vector<16xi32>, vector<16xi32>], vector<16xf32>,
        %add3A_351 = arith.constant 3 : i32
        %add3A_352 = vector.broadcast %add3A_351 : i32 to vector<16xi32>
        %add3A_353 = arith.addi %mul3A_85, %add3A_352 : vector<16xi32>
        %gather3A_354 = tpu.vector_load_idx %arg5[%add3A_353, %add3A_91, %min3A_249] : memref<8x2x1024xf32, #tpu.memory_space<vmem>>[vector<16xi32>, vector<16xi32>, vector<16xi32>], vector<16xf32>,
        %gt3A_355 = arith.constant 0.000000e+00 : f32
        %gt3A_356 = vector.broadcast %gt3A_355 : f32 to vector<16xf32>
        %gt3A_357 = arith.cmpf ogt, %gather3A_350, %gt3A_356 : vector<16xf32>
        %jit3A_358 = arith.constant 16777216 : i32
        %jit3A_359 = arith.constant 0 : i32
        %broadcast_in_dim3A_360 = vector.broadcast %jit3A_358 : i32 to vector<16xi32>
        %broadcast_in_dim3A_361 = vector.broadcast %jit3A_359 : i32 to vector<16xi32>
        %select_n3A_362 = arith.select %gt3A_357, %broadcast_in_dim3A_360, %broadcast_in_dim3A_361 : vector<16xi1>, vector<16xi32>
        %or3A_363 = arith.ori %or3A_337, %select_n3A_362 : vector<16xi32>
        %gt3A_364 = arith.constant 0.000000e+00 : f32
        %gt3A_365 = vector.broadcast %gt3A_364 : f32 to vector<16xf32>
        %gt3A_366 = arith.cmpf ogt, %gather3A_354, %gt3A_365 : vector<16xf32>
        %jit3A_367 = arith.constant 16777216 : i32
        %jit3A_368 = arith.constant 0 : i32
        %broadcast_in_dim3A_369 = vector.broadcast %jit3A_367 : i32 to vector<16xi32>
        %broadcast_in_dim3A_370 = vector.broadcast %jit3A_368 : i32 to vector<16xi32>
        %select_n3A_371 = arith.select %gt3A_366, %broadcast_in_dim3A_369, %broadcast_in_dim3A_370 : vector<16xi1>, vector<16xi32>
        %or3A_372 = arith.ori %or3A_346, %select_n3A_371 : vector<16xi32>
        tpu.vector_store_idx %arg6[%mul3A_85, %sub3A_258], %or3A_363 masked %and3A_268 : memref<2x33024xi32, #tpu.memory_space<vmem>>[vector<16xi32>, vector<16xi32>], vector<16xi32>, vector<16xi1>
        %add3A_373 = arith.constant 1 : i32
        %add3A_374 = vector.broadcast %add3A_373 : i32 to vector<16xi32>
        %add3A_375 = arith.addi %sub3A_258, %add3A_374 : vector<16xi32>
        tpu.vector_store_idx %arg6[%mul3A_85, %add3A_375], %or3A_372 masked %and3A_268 : memref<2x33024xi32, #tpu.memory_space<vmem>>[vector<16xi32>, vector<16xi32>], vector<16xi32>, vector<16xi1>
        %broadcast_in_dim3A_376 = arith.constant 0 : i32
        %broadcast_in_dim3A_377 = vector.broadcast %broadcast_in_dim3A_376 : i32 to vector<16xi32>
        %broadcast_in_dim3A_378 = arith.constant 0 : i32
        %broadcast_in_dim3A_379 = vector.broadcast %broadcast_in_dim3A_378 : i32 to vector<16xi32>
        %add3A_380 = arith.constant 4 : i32
        %add3A_381 = vector.broadcast %add3A_380 : i32 to vector<16xi32>
        %add3A_382 = arith.addi %mul3A_85, %add3A_381 : vector<16xi32>
        %gather3A_383 = tpu.vector_load_idx %arg5[%add3A_382, %mul3A_85, %min3A_249] : memref<8x2x1024xf32, #tpu.memory_space<vmem>>[vector<16xi32>, vector<16xi32>, vector<16xi32>], vector<16xf32>,
        %add3A_384 = arith.constant 4 : i32
        %add3A_385 = vector.broadcast %add3A_384 : i32 to vector<16xi32>
        %add3A_386 = arith.addi %mul3A_85, %add3A_385 : vector<16xi32>
        %gather3A_387 = tpu.vector_load_idx %arg5[%add3A_386, %add3A_91, %min3A_249] : memref<8x2x1024xf32, #tpu.memory_space<vmem>>[vector<16xi32>, vector<16xi32>, vector<16xi32>], vector<16xf32>,
        %gt3A_388 = arith.constant 0.000000e+00 : f32
        %gt3A_389 = vector.broadcast %gt3A_388 : f32 to vector<16xf32>
        %gt3A_390 = arith.cmpf ogt, %gather3A_383, %gt3A_389 : vector<16xf32>
        %jit3A_391 = arith.constant 1 : i32
        %jit3A_392 = arith.constant 0 : i32
        %broadcast_in_dim3A_393 = vector.broadcast %jit3A_391 : i32 to vector<16xi32>
        %broadcast_in_dim3A_394 = vector.broadcast %jit3A_392 : i32 to vector<16xi32>
        %select_n3A_395 = arith.select %gt3A_390, %broadcast_in_dim3A_393, %broadcast_in_dim3A_394 : vector<16xi1>, vector<16xi32>
        %or3A_396 = arith.ori %broadcast_in_dim3A_377, %select_n3A_395 : vector<16xi32>
        %gt3A_397 = arith.constant 0.000000e+00 : f32
        %gt3A_398 = vector.broadcast %gt3A_397 : f32 to vector<16xf32>
        %gt3A_399 = arith.cmpf ogt, %gather3A_387, %gt3A_398 : vector<16xf32>
        %jit3A_400 = arith.constant 1 : i32
        %jit3A_401 = arith.constant 0 : i32
        %broadcast_in_dim3A_402 = vector.broadcast %jit3A_400 : i32 to vector<16xi32>
        %broadcast_in_dim3A_403 = vector.broadcast %jit3A_401 : i32 to vector<16xi32>
        %select_n3A_404 = arith.select %gt3A_399, %broadcast_in_dim3A_402, %broadcast_in_dim3A_403 : vector<16xi1>, vector<16xi32>
        %or3A_405 = arith.ori %broadcast_in_dim3A_379, %select_n3A_404 : vector<16xi32>
        %add3A_406 = arith.constant 5 : i32
        %add3A_407 = vector.broadcast %add3A_406 : i32 to vector<16xi32>
        %add3A_408 = arith.addi %mul3A_85, %add3A_407 : vector<16xi32>
        %gather3A_409 = tpu.vector_load_idx %arg5[%add3A_408, %mul3A_85, %min3A_249] : memref<8x2x1024xf32, #tpu.memory_space<vmem>>[vector<16xi32>, vector<16xi32>, vector<16xi32>], vector<16xf32>,
        %add3A_410 = arith.constant 5 : i32
        %add3A_411 = vector.broadcast %add3A_410 : i32 to vector<16xi32>
        %add3A_412 = arith.addi %mul3A_85, %add3A_411 : vector<16xi32>
        %gather3A_413 = tpu.vector_load_idx %arg5[%add3A_412, %add3A_91, %min3A_249] : memref<8x2x1024xf32, #tpu.memory_space<vmem>>[vector<16xi32>, vector<16xi32>, vector<16xi32>], vector<16xf32>,
        %gt3A_414 = arith.constant 0.000000e+00 : f32
        %gt3A_415 = vector.broadcast %gt3A_414 : f32 to vector<16xf32>
        %gt3A_416 = arith.cmpf ogt, %gather3A_409, %gt3A_415 : vector<16xf32>
        %jit3A_417 = arith.constant 256 : i32
        %jit3A_418 = arith.constant 0 : i32
        %broadcast_in_dim3A_419 = vector.broadcast %jit3A_417 : i32 to vector<16xi32>
        %broadcast_in_dim3A_420 = vector.broadcast %jit3A_418 : i32 to vector<16xi32>
        %select_n3A_421 = arith.select %gt3A_416, %broadcast_in_dim3A_419, %broadcast_in_dim3A_420 : vector<16xi1>, vector<16xi32>
        %or3A_422 = arith.ori %or3A_396, %select_n3A_421 : vector<16xi32>
        %gt3A_423 = arith.constant 0.000000e+00 : f32
        %gt3A_424 = vector.broadcast %gt3A_423 : f32 to vector<16xf32>
        %gt3A_425 = arith.cmpf ogt, %gather3A_413, %gt3A_424 : vector<16xf32>
        %jit3A_426 = arith.constant 256 : i32
        %jit3A_427 = arith.constant 0 : i32
        %broadcast_in_dim3A_428 = vector.broadcast %jit3A_426 : i32 to vector<16xi32>
        %broadcast_in_dim3A_429 = vector.broadcast %jit3A_427 : i32 to vector<16xi32>
        %select_n3A_430 = arith.select %gt3A_425, %broadcast_in_dim3A_428, %broadcast_in_dim3A_429 : vector<16xi1>, vector<16xi32>
        %or3A_431 = arith.ori %or3A_405, %select_n3A_430 : vector<16xi32>
        %add3A_432 = arith.constant 6 : i32
        %add3A_433 = vector.broadcast %add3A_432 : i32 to vector<16xi32>
        %add3A_434 = arith.addi %mul3A_85, %add3A_433 : vector<16xi32>
        %gather3A_435 = tpu.vector_load_idx %arg5[%add3A_434, %mul3A_85, %min3A_249] : memref<8x2x1024xf32, #tpu.memory_space<vmem>>[vector<16xi32>, vector<16xi32>, vector<16xi32>], vector<16xf32>,
        %add3A_436 = arith.constant 6 : i32
        %add3A_437 = vector.broadcast %add3A_436 : i32 to vector<16xi32>
        %add3A_438 = arith.addi %mul3A_85, %add3A_437 : vector<16xi32>
        %gather3A_439 = tpu.vector_load_idx %arg5[%add3A_438, %add3A_91, %min3A_249] : memref<8x2x1024xf32, #tpu.memory_space<vmem>>[vector<16xi32>, vector<16xi32>, vector<16xi32>], vector<16xf32>,
        %gt3A_440 = arith.constant 0.000000e+00 : f32
        %gt3A_441 = vector.broadcast %gt3A_440 : f32 to vector<16xf32>
        %gt3A_442 = arith.cmpf ogt, %gather3A_435, %gt3A_441 : vector<16xf32>
        %jit3A_443 = arith.constant 65536 : i32
        %jit3A_444 = arith.constant 0 : i32
        %broadcast_in_dim3A_445 = vector.broadcast %jit3A_443 : i32 to vector<16xi32>
        %broadcast_in_dim3A_446 = vector.broadcast %jit3A_444 : i32 to vector<16xi32>
        %select_n3A_447 = arith.select %gt3A_442, %broadcast_in_dim3A_445, %broadcast_in_dim3A_446 : vector<16xi1>, vector<16xi32>
        %or3A_448 = arith.ori %or3A_422, %select_n3A_447 : vector<16xi32>
        %gt3A_449 = arith.constant 0.000000e+00 : f32
        %gt3A_450 = vector.broadcast %gt3A_449 : f32 to vector<16xf32>
        %gt3A_451 = arith.cmpf ogt, %gather3A_439, %gt3A_450 : vector<16xf32>
        %jit3A_452 = arith.constant 65536 : i32
        %jit3A_453 = arith.constant 0 : i32
        %broadcast_in_dim3A_454 = vector.broadcast %jit3A_452 : i32 to vector<16xi32>
        %broadcast_in_dim3A_455 = vector.broadcast %jit3A_453 : i32 to vector<16xi32>
        %select_n3A_456 = arith.select %gt3A_451, %broadcast_in_dim3A_454, %broadcast_in_dim3A_455 : vector<16xi1>, vector<16xi32>
        %or3A_457 = arith.ori %or3A_431, %select_n3A_456 : vector<16xi32>
        %add3A_458 = arith.constant 7 : i32
        %add3A_459 = vector.broadcast %add3A_458 : i32 to vector<16xi32>
        %add3A_460 = arith.addi %mul3A_85, %add3A_459 : vector<16xi32>
        %gather3A_461 = tpu.vector_load_idx %arg5[%add3A_460, %mul3A_85, %min3A_249] : memref<8x2x1024xf32, #tpu.memory_space<vmem>>[vector<16xi32>, vector<16xi32>, vector<16xi32>], vector<16xf32>,
        %add3A_462 = arith.constant 7 : i32
        %add3A_463 = vector.broadcast %add3A_462 : i32 to vector<16xi32>
        %add3A_464 = arith.addi %mul3A_85, %add3A_463 : vector<16xi32>
        %gather3A_465 = tpu.vector_load_idx %arg5[%add3A_464, %add3A_91, %min3A_249] : memref<8x2x1024xf32, #tpu.memory_space<vmem>>[vector<16xi32>, vector<16xi32>, vector<16xi32>], vector<16xf32>,
        %gt3A_466 = arith.constant 0.000000e+00 : f32
        %gt3A_467 = vector.broadcast %gt3A_466 : f32 to vector<16xf32>
        %gt3A_468 = arith.cmpf ogt, %gather3A_461, %gt3A_467 : vector<16xf32>
        %jit3A_469 = arith.constant 16777216 : i32
        %jit3A_470 = arith.constant 0 : i32
        %broadcast_in_dim3A_471 = vector.broadcast %jit3A_469 : i32 to vector<16xi32>
        %broadcast_in_dim3A_472 = vector.broadcast %jit3A_470 : i32 to vector<16xi32>
        %select_n3A_473 = arith.select %gt3A_468, %broadcast_in_dim3A_471, %broadcast_in_dim3A_472 : vector<16xi1>, vector<16xi32>
        %or3A_474 = arith.ori %or3A_448, %select_n3A_473 : vector<16xi32>
        %gt3A_475 = arith.constant 0.000000e+00 : f32
        %gt3A_476 = vector.broadcast %gt3A_475 : f32 to vector<16xf32>
        %gt3A_477 = arith.cmpf ogt, %gather3A_465, %gt3A_476 : vector<16xf32>
        %jit3A_478 = arith.constant 16777216 : i32
        %jit3A_479 = arith.constant 0 : i32
        %broadcast_in_dim3A_480 = vector.broadcast %jit3A_478 : i32 to vector<16xi32>
        %broadcast_in_dim3A_481 = vector.broadcast %jit3A_479 : i32 to vector<16xi32>
        %select_n3A_482 = arith.select %gt3A_477, %broadcast_in_dim3A_480, %broadcast_in_dim3A_481 : vector<16xi1>, vector<16xi32>
        %or3A_483 = arith.ori %or3A_457, %select_n3A_482 : vector<16xi32>
        tpu.vector_store_idx %arg6[%add3A_91, %sub3A_258], %or3A_474 masked %and3A_268 : memref<2x33024xi32, #tpu.memory_space<vmem>>[vector<16xi32>, vector<16xi32>], vector<16xi32>, vector<16xi1>
        %add3A_484 = arith.constant 1 : i32
        %add3A_485 = vector.broadcast %add3A_484 : i32 to vector<16xi32>
        %add3A_486 = arith.addi %sub3A_258, %add3A_485 : vector<16xi32>
        tpu.vector_store_idx %arg6[%add3A_91, %add3A_486], %or3A_483 masked %and3A_268 : memref<2x33024xi32, #tpu.memory_space<vmem>>[vector<16xi32>, vector<16xi32>], vector<16xi32>, vector<16xi1>
      }
      %scan3A_230 = arith.constant 64 : i32
    }
    %dma_start3A_146 = arith.constant 0 : i32
    %dma_start3A_147 = arith.constant 0 : i32
    %dma_start3A_148 = tpu.memref_slice %arg6[%dma_start3A_146, %dma_start3A_147] : memref<2x33024xi32, #tpu.memory_space<vmem>> -> memref<2x33024xi32, #tpu.memory_space<vmem>>
    %dma_start3A_149 = tpu.memref_bitcast %arg3 : memref<8x1048064xi8, #tpu.memory_space<hbm>> -> memref<2x1048064xi32, #tpu.memory_space<hbm>>
    %dma_start3A_150 = arith.constant 0 : i32
    %dma_start3A_151 = tpu.memref_slice %dma_start3A_149[%dma_start3A_150, %multiple_of3A] : memref<2x1048064xi32, #tpu.memory_space<hbm>> -> memref<2x33024xi32, #tpu.memory_space<hbm>>
    %dma_start3A_152 = tpu.memref_bitcast %arg3 : memref<8x1048064xi8, #tpu.memory_space<hbm>> -> memref<2x1048064xi32, #tpu.memory_space<hbm>>
    %dma_start3A_153 = arith.constant 0 : i32
    %dma_start3A_154 = tpu.memref_slice %dma_start3A_152[%dma_start3A_153, %multiple_of3A] : memref<2x1048064xi32, #tpu.memory_space<hbm>> -> memref<2x33024xi32, #tpu.memory_space<hbm>>
    %dma_start3A_155 = arith.constant 0 : i32
    %dma_start3A_156 = arith.constant 0 : i32
    %dma_start3A_157 = tpu.memref_slice %arg6[%dma_start3A_155, %dma_start3A_156] : memref<2x33024xi32, #tpu.memory_space<vmem>> -> memref<2x33024xi32, #tpu.memory_space<vmem>>
    tpu.enqueue_dma source(%dma_start3A_157 : memref<2x33024xi32, #tpu.memory_space<vmem>>) target(%dma_start3A_154 : memref<2x33024xi32, #tpu.memory_space<hbm>>) target_semaphore(%arg9 : memref<!tpu.dma_semaphore, #tpu.memory_space<semaphore_mem>>)
    %dma_wait3A = arith.constant 0 : i32
    %dma_wait3A_158 = arith.constant 0 : i32
    %dma_wait3A_159 = tpu.memref_slice %arg6[%dma_wait3A, %dma_wait3A_158] : memref<2x33024xi32, #tpu.memory_space<vmem>> -> memref<2x33024xi32, #tpu.memory_space<vmem>>
    %dma_wait3A_160 = tpu.memref_bitcast %arg3 : memref<8x1048064xi8, #tpu.memory_space<hbm>> -> memref<2x1048064xi32, #tpu.memory_space<hbm>>
    %dma_wait3A_161 = arith.constant 0 : i32
    %dma_wait3A_162 = tpu.memref_slice %dma_wait3A_160[%dma_wait3A_161, %multiple_of3A] : memref<2x1048064xi32, #tpu.memory_space<hbm>> -> memref<2x33024xi32, #tpu.memory_space<hbm>>
    %dma_wait3A_163 = tpu.memref_bitcast %arg3 : memref<8x1048064xi8, #tpu.memory_space<hbm>> -> memref<2x1048064xi32, #tpu.memory_space<hbm>>
    %dma_wait3A_164 = arith.constant 0 : i32
    %dma_wait3A_165 = tpu.memref_slice %dma_wait3A_163[%dma_wait3A_164, %multiple_of3A] : memref<2x1048064xi32, #tpu.memory_space<hbm>> -> memref<2x33024xi32, #tpu.memory_space<hbm>>
    %dma_wait3A_166 = arith.constant 0 : i32
    %dma_wait3A_167 = arith.constant 0 : i32
    %dma_wait3A_168 = tpu.memref_slice %arg6[%dma_wait3A_166, %dma_wait3A_167] : memref<2x33024xi32, #tpu.memory_space<vmem>> -> memref<2x33024xi32, #tpu.memory_space<vmem>>
    tpu.wait_dma2 semaphore(%arg9 : memref<!tpu.dma_semaphore, #tpu.memory_space<semaphore_mem>>) src(%dma_wait3A_168 : memref<2x33024xi32, #tpu.memory_space<vmem>>) dst(%dma_wait3A_165 : memref<2x33024xi32, #tpu.memory_space<hbm>>)
    return
  }
}

</mosaic_0001>

<sc_bundles>
// kernel: kernel.3.cloned.1.call-start
scs
__scs_entry_jumppad:
0x0: {  	(pc) =	sbr.rel $0x88, $3  }
0x1: {  	(tag) =	ssettag $0x0;
	lr =	simm.s32 $0x1  }
0x2: {  	[smem:$0x3FA0] =	sst lr;
	_ =	strace $0xD0000000  }
0x3: {  	_ = 	snop  }
0x4: {  	_ = 	snop  }
0x5: {  	_ = 	snop  }
0x6: {  	_ = 	snop  }
0x7: {  	_ = 	snop  }
__scs_overlays_trampoline_lowered:
0x8: {  	[smem:$0x3FAF] =	sst s0  }
0x9: {  	[smem:$0x3FB0] =	sst s1  }
0xa: {  	[smem:$0x3FB1] =	sst s2  }
0xb: {  	[smem:$0x3FB2] =	sst s3  }
0xc: {  	[smem:$0x3FB3] =	sst s4  }
0xd: {  	[smem:$0x3FB4] =	sst s5  }
0xe: {  	[smem:$0x3FB5] =	sst s6  }
0xf: {  	[smem:$0x3FB6] =	sst s7  }
0x10: {  	[smem:$0x3FB7] =	sst s8  }
0x11: {  	[smem:$0x3FB8] =	sst s9;
	s0 =	simm.s32 @!p0 $0x0  }
0x12: {  	s1 =	sld [smem:$0x3F9E];
	s0 =	simm.s32 @p0 $0x1  }
0x13: {  	[smem:$0x3FB9] =	sst s0;
	s0 =	simm.s32 @!p1 $0x0  }
0x14: {  	s2 =	sld [smem:$0x3F9D];
	s0 =	simm.s32 @p1 $0x1  }
0x15: {  	[smem:$0x3FBA] =	sst s0;
	s0 =	simm.s32 @!p2 $0x0  }
0x16: {  	s3 =	sld [smem:$0x3FDB];
	s0 =	simm.s32 @p2 $0x1  }
0x17: {  	s4 =	simm.s32 $0x1BF5;
	[smem:$0x3FBC] =	sst s0  }
0x18: {  	s0 =	sld [smem:$0x3F9F];
	_ =	swait.ge [sflag:s4], $0x0  }
0x19: {  	s7 =	sld [smem:$0x3FA0]  }
0x1a: {  	s8 =	sadd.s32 $0xFFFFE003, lr  }
0x1b: {  	s9 =	sadd.s32 $0xFFFFFEF7, lr;
	s5 =	simm.s32 $0xFFFFFFFF;
	p2 =	slt.u32 s8, $0xFFFFF086  }
0x1c: {  	p1 =	slt.u32 s9, $0xF7A;
	s5 =	simm.s32 @!p2 $0x0  }
0x1d: {  	s5 =	simm.s32 @p1 $0x1;
	p0 =	seq.s32 s7, s2  }
0x1e: {  	s7 =	smul.u32 @!p0 $0xF7A, s2;
	p2 =	seq.s32 @!p0 s5, $0x0  }
0x1f: {  	s9 =	smul.u32 $0xF7A, s1;
	s8 =	simm.s32 @!p0 $0x1BF5;
	p2 =	por !p2, p0  }
0x20: {  	[sflag:s8] =	ssyncset.s32 @!p0 $0xFFFFF086;
	s6 =	sadd.s32 @!p0 s3, s7;
	s7 =	simm.s32 @!p0 $0x108  }
0x21: {  	s3 =	sadd.s32 s3, s9;
	s6 =	sadd.s32 @!p0 $0x88, s6;
	s7 =	simm.s32 @p2 $0x1082  }
0x22: {  	[simem:s7], [sflag:s8] =	dma.local @!p0 [hbm:s6], $0xF7A  }
0x23: {  	s9 =	sor.u32 $0xD0000000, s2;
	s6 =	simm.s32 $0x108;
	_ =	swait.ge @!p0 [sflag:s8], $0x0  }
0x24: {  	s3 =	sadd.s32 $0x88, s3;
	s6 =	simm.s32 @!p1 $0x1082;
	[sflag:s4] =	ssyncset.s32 $0xFFFFF086  }
0x25: {  	[simem:s6], [sflag:s4] =	dma.local [hbm:s3], $0xF7A  }
0x26: {  	[smem:$0x3FA0] =	sst s1;
	(tag) =	ssettag s2;
	_ =	strace s9  }
0x27: {  	s1 =	sld [smem:$0x3FB0]  }
0x28: {  	s2 =	sld [smem:$0x3FB1]  }
0x29: {  	s4 =	sld [smem:$0x3FB3]  }
0x2a: {  	p0 =	seq.s32 s5, $0x0;
	s5 =	sld [smem:$0x3FB4]  }
0x2b: {  	s6 =	sld [smem:$0x3FB5]  }
0x2c: {  	s7 =	sld [smem:$0x3FB6]  }
0x2d: {  	s3 =	simm.s32 $0x108;
	s8 =	sld [smem:$0x3FB7]  }
0x2e: {  	s3 =	simm.s32 @!p0 $0x1082;
	s9 =	sld [smem:$0x3FB8]  }
0x2f: {  	lr =	sadd.s32 s0, s3;
	s0 =	sld [smem:$0x3FAF]  }
0x30: {  	s3 =	sld [smem:$0x3FB2]  }
0x31: {  	[smem:$0x3FBB] =	sst s10  }
0x32: {  	s10 =	sld [smem:$0x3FB9];
	_ =	sdelay $0x3  }
0x33: {  	p0 =	seq.s32 s10, $0x1;
	s10 =	sld [smem:$0x3FBB];
	_ =	sdelay $0x3  }
0x34: {  	[smem:$0x3FBB] =	sst s10  }
0x35: {  	s10 =	sld [smem:$0x3FBA];
	_ =	sdelay $0x3  }
0x36: {  	p1 =	seq.s32 s10, $0x1;
	s10 =	sld [smem:$0x3FBB];
	_ =	sdelay $0x3  }
0x37: {  	[smem:$0x3FBB] =	sst s10  }
0x38: {  	s10 =	sld [smem:$0x3FBC]  }
0x39: {  	_ = 	snop;
	(pc) =	sbr.ind lr, $3  }
0x3a: {  	_ = 	snop  }
0x3b: {  	_ = 	snop  }
0x3c: {  	p2 =	seq.s32 s10, $0x1;
	s10 =	sld [smem:$0x3FBB]  }
0x3d: {  	_ =	shalt  }
0x3e: {  	_ =	shalt  }
0x3f: {  	_ =	shalt  }
0x40: {  	_ =	shalt  }
0x41: {  	_ =	shalt  }
0x42: {  	_ =	shalt  }
0x43: {  	_ =	shalt  }
0x44: {  	_ =	shalt  }
0x45: {  	_ =	shalt  }
0x46: {  	_ =	shalt  }
0x47: {  	_ =	shalt  }
0x48: {  	_ =	shalt  }
0x49: {  	_ =	shalt  }
0x4a: {  	_ =	shalt  }
0x4b: {  	_ =	shalt  }
0x4c: {  	_ =	shalt  }
0x4d: {  	_ =	shalt  }
0x4e: {  	_ =	shalt  }
0x4f: {  	_ =	shalt  }
0x50: {  	_ =	shalt  }
0x51: {  	_ =	shalt  }
0x52: {  	_ =	shalt  }
0x53: {  	_ =	shalt  }
0x54: {  	_ =	shalt  }
0x55: {  	_ =	shalt  }
0x56: {  	_ =	shalt  }
0x57: {  	_ =	shalt  }
0x58: {  	_ =	shalt  }
0x59: {  	_ =	shalt  }
0x5a: {  	_ =	shalt  }
0x5b: {  	_ =	shalt  }
0x5c: {  	_ =	shalt  }
0x5d: {  	_ =	shalt  }
0x5e: {  	_ =	shalt  }
0x5f: {  	_ =	shalt  }
0x60: {  	_ =	shalt  }
0x61: {  	_ =	shalt  }
0x62: {  	_ =	shalt  }
0x63: {  	_ =	shalt  }
0x64: {  	_ =	shalt  }
0x65: {  	_ =	shalt  }
0x66: {  	_ =	shalt  }
0x67: {  	_ =	shalt  }
0x68: {  	_ =	shalt  }
0x69: {  	_ =	shalt  }
0x6a: {  	_ =	shalt  }
0x6b: {  	_ =	shalt  }
0x6c: {  	_ =	shalt  }
0x6d: {  	_ =	shalt  }
0x6e: {  	_ =	shalt  }
0x6f: {  	_ =	shalt  }
0x70: {  	_ =	shalt  }
0x71: {  	_ =	shalt  }
0x72: {  	_ =	shalt  }
0x73: {  	_ =	shalt  }
0x74: {  	_ =	shalt  }
0x75: {  	_ =	shalt  }
0x76: {  	_ =	shalt  }
0x77: {  	_ =	shalt  }
0x78: {  	_ =	shalt  }
0x79: {  	_ =	shalt  }
0x7a: {  	_ =	shalt  }
0x7b: {  	_ =	shalt  }
0x7c: {  	_ =	shalt  }
0x7d: {  	_ =	shalt  }
0x7e: {  	_ =	shalt  }
0x7f: {  	_ =	shalt  }
0x80: {  	_ =	shalt  }
0x81: {  	_ =	shalt  }
0x82: {  	_ =	shalt  }
0x83: {  	_ =	shalt  }
0x84: {  	_ =	shalt  }
0x85: {  	_ =	shalt  }
0x86: {  	_ =	shalt  }
0x87: {  	_ =	shalt  }
.Lfunc_end0:
.L_simem_size_0:
called_computation_lowered:
.L_overlay_start_0:
0x88: {  	s2 =	sld [smem:$0x3FD9]  }
0x89: {  	s3 =	sld [smem:$0x3FFE];
	_ =	sdelay $0x1  }
0x8a: {  	s1 =	srdreg.scid  }
0x8b: {  	s0 =	sand.u32 $0x1, s1  }
0x8c: {  	s17 =	sshll.u32 s0, $0xA;
	s2 =	sadd.s32 s3, s2  }
0x8d: {  	s2 =	sadd.s32 s2, s17  }
0x8e: {  	[smem:$0x3FC7] =	sst s2  }
0x8f: {  	_ = 	snop  }
0x90: {  	s2 =	sld [smem:$0x3FD0];
	(tm) =	ssettm $0x1  }
0x91: {  	s18 =	sld [smem:$0x3FFB];
	_ =	sdelay $0x3  }
0x92: {  	_ =	strace s18  }
0x93: {  	s3 =	sld [smem:$0x3FFC];
	_ =	sdelay $0x3  }
0x94: {  	_ =	strace s3  }
0x95: {  	s3 =	sld [smem:$0x3FFD];
	_ =	sdelay $0x3  }
0x96: {  	_ =	strace s3  }
0x97: {  	_ =	strace $0x8FFFFFFF  }
0x98: {  	s19 =	sld [smem:$0x3FDB];
	_ =	sdelay $0x1  }
0x99: {  	s4 =	simm.s32 $_scs_section_size  }
0x9a: {  	s5 =	simm.s32 $_size__tile_overlayer_lowered;
	s6 =	simm.s32 $_tile_overlayer_lowered  }
0x9b: {  	s22 =	simm.s32 $0x1BFF;
	s21 =	sshll.u32 s6, $0x1;
	s3 =	sadd.s32 s4, s19  }
0x9c: {  	s7 =	simm.s32 $0x0;
	s20 =	sshll.u32 s5, $0x1;
	s5 =	sadd.s32 s21, s3  }
0x9d: {  	[timem:s7], [sflag:s22] =	dma.local [hbm:s5], s20  }
0x9e: {  	_ =	swait.ge [sflag:s22], s20  }
0x9f: {  	s4 =	ssub.s32 $0x0, s20;
	[sflag:s22] =	ssyncset.done $0x0  }
0xa0: {  	[sflag:s22] =	ssyncadd.s32 s4;
	_ =	sdelay $0x1  }
0xa1: {  	s23 =	simm.s32 $0x1B8B  }
0xa2: {  	_ =	swait.ge [sflag:s23], $0x1  }
0xa3: {  	[sflag:s23] =	ssyncset.done $0x0  }
0xa4: {  	s25 =	simm.s32 $0x1B8E;
	s24 =	sld [smem:$0x3FFE];
	[sflag:s23] =	ssyncadd.s32 $0xFFFFFFFF  }
0xa5: {  	s26 =	simm.s32 $execute0_lowered;
	[smem:$0x3FD2] =	sst s25  }
0xa6: {  	s5 =	sshll.u32 s26, $0x1;
	_ =	strace $0x80000046;
	[dreg:$0x1] =	wrdreg $0xFFFFFFFF  }
0xa7: {  	s28 =	simm.s32 $_size_execute0_lowered;
	s3 =	sadd.s32 s3, s5;
	[dreg:$0x0] =	wrdreg $0x0  }
0xa8: {  	s5 =	sshll.u32 s28, $0x1;
	[dreg:$0x2] =	wrdreg s3  }
0xa9: {  	[dreg:$0x3] =	wrdreg s5  }
0xaa: {  	[dreg:$0x4] =	wrdreg $0xC0  }
0xab: {  	_ =	task [dreg:s7], $0x5FFFF  }
0xac: {  	[dreg:$0x1] =	wrdreg $0xFFFFFFFF  }
0xad: {  	[dreg:$0x0] =	wrdreg $0x60  }
0xae: {  	[dreg:$0x2] =	wrdreg s24  }
0xaf: {  	[dreg:$0x3] =	wrdreg s2  }
0xb0: {  	[dreg:$0x4] =	wrdreg $0x9  }
0xb1: {  	_ =	task.clear_ibuf [dreg:s7], $0x5FFFF;
	_ =	strace $0x90000046  }
0xb2: {  	s29 =	simm.s32 $0x9;
	_ =	strace $0x80000048  }
0xb3: {  	_ =	swait.ge [sflag:s29], $0x1  }
0xb4: {  	[sflag:s29] =	ssyncadd.s32 $0xFFFFFFFF  }
0xb5: {  	_ =	strace $0x90000048  }
0xb6: {  	_ =	sfence  }
0xb7: {  	s30 =	sld [smem:$0x0];
	_ =	sdelay $0x2  }
0xb8: {  	s31 =	sshll.u32 s1, $0xD;
	s1 =	sshrl.u32 s1, $0x2  }
0xb9: {  	s3 =	sand.u32 $0x4000, s31;
	s1 =	sadd.s32 s1, s30  }
0xba: {  	s0 =	sor.u32 s3, s0;
	s1 =	sshll.u32 s1, $0x11  }
0xbb: {  	s0 =	sor.u32 s1, s0  }
0xbc: {  	s0 =	sadd.s32 $0x8F2B, s0  }
0xbd: {  	[sflag:s0] =	ssyncadd.remote.s32 $0x1  }
0xbe: {  	_ =	sfence.sel $0xFFFF  }
0xbf: {  	[dreg:$0x0] =	wrdreg $0xFFFFFFFF;
	(pc) =	sbr.abs _section_cstart, $3  }
0xc0: {  	[dreg:$0x1] =	wrdreg $0xFFFFFFFF  }
0xc1: {  	_ =	task.clear_ibuf [dreg:s7], $0x2FFFF;
	_ =	strace $0x9FFFFFFF  }
0xc2: {  	(tm) =	ssettm $0x7FFFFFFF  }
0xc3: {  	_ =	shalt  }
tec
execute0_lowered:
.L_overlay_start_1:
0x0: {  	(tag) =	ssettag $0x1  }
0x1: {  	s1 =	srdreg.scid;
	s0 =	stileid.u32  }
0x2: {  	s6 =	sand.u32 $0x1, s1;
	s28 =	sshll.u32 s0, $0x1  }
0x3: {  	s1 =	sor.u32 s6, s28  }
0x4: {  	s1 =	smul.u32 $0x7FF0, s1;
	_ =	sdelay $0x1  }
0x5: {  	s1 =	sand.u32 $0xFFF80, s1  }
0x6: {  	s15 =	smin.u32 s1, $0xF7D00  }
0x7: {  	s7 =	rddreg [dreg:$0x0];
	s1 =	sadd.s32 $0x90FC, s15  }
0x8: {  	s8 =	rddreg [dreg:$0x1];
	s4 =	simm.s32 $0x0;
	s1 =	smulhi.u32 $0x200401, s1  }
0x9: {  	s11 =	simm.s32 $0x100000;
	s12 =	simm.s32 $0x1;
	s5 =	smulhi.u32 $0x100201, s15  }
0xa: {  	s13 =	simm.s32 $0x8000;
	s14 =	simm.s32 $0x2;
	s1 =	sshrl.u32 s1, $0x1  }
0xb: {  	s16 =	simm.s32 $0x3;
	s17 =	simm.s32 $0x0;
	s2 =	ssub.s32 s1, s5  }
0xc: {  	[smem:$0x7FF] =	sst s4;
	s10 =	ssub.s32 $0x2, s6;
	s3 =	sshll.u32 s2, $0x1  }
0xd: {  	s6 =	sadd.s32 $0x400, s7;
	p0 =	slt.s32 s3, $0x1;
	s9 =	smov.u32 s3  }
0xe: {  	s29 =	sshrl.u32 s10, $0x1;
	s5 =	sshll.u32 s5, $0x1;
	s9 =	simm.s32 @!p0 $0x1  }
.Ltmp0:
0xf: {  	s10 =	ssub.s32 s10, s29;
	s9 =	sadd.s32 s5, s9;
	(pc) =	sbr.rel .LBB2_1-.Ltmp0, $4  }
0x10: {  	s31 =	sshrl.u32 s15, $0x2;
	v1 =	vmov s15;
	s15 =	simm.s32 $0x4000;
	s9 =	sshll.u32 s9, $0x8  }
0x11: {  	s8 =	sadd.s32 s8, s31;
	s1 =	rddreg [dreg:$0x2];
	s9 =	sadd.s32 $0xFFFFFF00, s9  }
0x12: {  	v0 =	vlaneseq.u32;
	_ =	strace $0x80000047;
	p0 =	slt.s32 s2, $0x1;
	s30 =	sand.u32 $0x1FFFFF00, s9  }
0x13: {  	v2 =	vimm.s32 $0x0;
	v3 =	vadd.s32 $0xFFFFFC01, v0;
	s9 =	smax.u32 s10, $0x1;
	s10 =	simm.s32 $0x800;
	s7 =	sadd.s32 s6, s30  }
.LBB2_7:
0x14: {  	s17 =	sadd.s32 $0x1, s17  }
0x15: {  	p1 =	sne.s32 s17, s9  }
.Ltmp1:
0x16: {  	_ = 	snop;
	(pc) =	sbr.rel @!p1 .LBB2_8-.Ltmp1, $4  }
0x17: {  	[hbm4b:s8+s4] =	stream.linear.scatter [tilespmem:s13], [sflag:$0x3], $0x10200, $0x38;
	[tilespmem:$0x18200] =	vst v63  }
0x18: {  	_ =	swait.ge [sflag:s16], $0x10200  }
0x19: {  	[sflag:s16] =	ssyncset.done $0x0  }
0x1a: {  	[sflag:s16] =	ssyncadd.s32 $0xFFFEFE00  }
.LBB2_1:
.Ltmp2:
0x1b: {  	(pc) =	sbr.rel @p0 .LBB2_7-.Ltmp2, $3  }
0x1c: {  	_ =	sdelay $0x1  }
0x1d: {  	[tilespmem:s4], [sflag:$0x1] =	stream.strided.gather [hbm4b:s7+s10], $0x4000, s11, s10, $0x38;
	[tilespmem:$0x18200] =	vst v63  }
0x1e: {  	s18 =	simm.s32 $0x0  }
.LBB2_2:
0x1f: {  	s19 =	sshll.u32 s18, $0x1  }
0x20: {  	s20 =	sadd.s32 s5, s19  }
0x21: {  	s20 =	sshrl.u32 s20, $0x1  }
0x22: {  	s21 =	sshllo.u32 s18, $0x1;
	s22 =	simm.s32 $0x0;
	s20 =	smul.u32 $0xFFE, s20  }
0x23: {  	p1 =	sge.s32 s21, s3;
	v6 =	vor.u32 s22, v0  }
0x24: {  	v8 =	vmov s22;
	s21 =	sadd.s32 @!p1 s5, s21;
	v5 =	vshll.u32 v6, $0x1;
	v4 =	vmov s20  }
0x25: {  	s22 =	simm.s32 @!p1 $0x100000;
	s21 =	sshll.u32 @!p1 s21, $0x8;
	v7 =	vadd.s32 v4, v5;
	v5 =	vshll.u32 v8, $0x1  }
0x26: {  	s23 =	simm.s32 @!p1 $0x4000;
	s20 =	sadd.s32 @!p1 s6, s21;
	s21 =	simm.s32 @!p1 $0x800;
	v8 =	vand.u32 $0x7F, v6;
	v15 =	vsub.s32 v7, v1;
	v5 =	vand.u32 $0x700, v5  }
0x27: {  	[tilespmem:s23], [sflag:$0x2] =	stream.strided.gather @!p1 [hbm4b:s20+s21], $0x4000, s22, s21, $0x38;
	vm0 =	vlt.u32 v15, $0x8100;
	v5 =	vor.u32 v8, v5;
	[tilespmem:$0x18200] =	vst v63  }
0x28: {  	_ =	swait.ge [sflag:s12], $0x4000;
	v15 =	vshll.u32 v15, $0x1;
	v11 =	vor.u32 $0x80, v5;
	v13 =	vor.u32 $0x800, v5  }
0x29: {  	[sflag:s12] =	ssyncset.done $0x0;
	v12 =	vor.u32 $0x1000, v5;
	v9 =	vor.u32 $0x1080, v5;
	v14 =	vor.u32 $0x880, v5  }
0x2a: {  	s20 =	simm.s32 $0x10;
	v8 =	vor.u32 $0x1880, v5;
	[sflag:s12] =	ssyncadd.s32 $0xFFFFC000;
	v10 =	vor.u32 $0x1800, v5;
	vm0 =	vmmov vm0  }
.LBB2_3:
0x2b: {  	p1 =	sne.s32 s20, $0x3F0;
	s21 =	smov.u32 s20;
	s20 =	sadd.s32 $0x10, s20  }
0x2c: {  	_ = 	snop  }
0x2d: {  	v17 =	vor.u32 $0x2800, v5;
	v16 =	vor.u32 s21, v0;
	v13 =	vld.idx.msk [tilespmem:v13+s4+$0x0], $0xffff  }
0x2e: {  	vm1 =	vlt.u32 v6, $0x7FF;
	v20 =	vor.u32 $0x2000, v5;
	v18 =	vshll.u32 v16, $0x1;
	v6 =	vmovc v16;
	v19 =	vld.idx.msk [tilespmem:v5+s4+$0x0], $0xffff  }
0x2f: {  	v16 =	vand.u32 $0x7E, v7;
	v7 =	vadd.s32 v4, v18;
	v18 =	vand.u32 $0xFFFFFF00, v15;
	v14 =	vld.idx.msk [tilespmem:v14+s4+$0x0], $0xffff  }
0x30: {  	v15 =	vmov s21;
	v21 =	vsub.s32 v7, v1;
	v23 =	vor.u32 v16, v18;
	v22 =	vld.idx.msk [tilespmem:v11+s4+$0x0], $0xffff  }
0x31: {  	v24 =	vor.u32 $0x1, v16;
	vm2 =	vlt.u32 v21, $0x8100;
	v11 =	vshll.u32 v15, $0x1;
	v15 =	vld.idx.msk [tilespmem:v12+s4+$0x0], $0xffff  }
0x32: {  	v26 =	vor.u32 v24, v18;
	v12 =	vand.u32 $0x7F, v6;
	v11 =	vand.u32 $0x700, v11;
	v25 =	vld.idx.msk [tilespmem:v9+s4+$0x0], $0xffff  }
0x33: {  	vm1 =	vmand vm1, vm0;
	v27 =	vor.u32 v12, v11;
	vm0 =	vgt.f32 v13, $0.0e+00  }
0x34: {  	v11 =	vor.u32 $0x80, v27;
	v13 =	vor.u32 $0x800, v27;
	vm3 =	vgt.f32 v19, $0.0e+00;
	v19 =	vld.idx.msk [tilespmem:v10+s4+$0x0], $0xffff  }
0x35: {  	v12 =	vor.u32 $0x1000, v27;
	v9 =	vor.u32 $0x1080, v27;
	vm4 =	vgt.f32 v14, $0.0e+00;
	v28 =	vld.idx.msk [tilespmem:v8+s4+$0x0], $0xffff  }
0x36: {  	v14 =	vor.u32 $0x880, v27;
	v8 =	vor.u32 $0x1880, v27;
	v29 =	vsel vm4, $0x100, v2  }
0x37: {  	vm4 =	vgt.f32 v22, $0.0e+00;
	v22 =	vsel vm0, $0x100, v2;
	vm0 =	vgt.f32 v15, $0.0e+00  }
0x38: {  	v15 =	vsel vm3, $0x1, v2;
	v30 =	vsel vm4, $0x1, v2;
	vm3 =	vgt.f32 v25, $0.0e+00  }
0x39: {  	v10 =	vor.u32 $0x1800, v27;
	v25 =	vor.u32 v30, v29;
	v29 =	vsel vm0, $0x10000, v2  }
0x3a: {  	v15 =	vor.u32 v15, v22;
	v22 =	vsel vm3, $0x10000, v2;
	vm0 =	vgt.f32 v19, $0.0e+00  }
0x3b: {  	v19 =	vor.u32 v29, v15;
	v22 =	vor.u32 v22, v25;
	v25 =	vsel vm0, $0x1000000, v2  }
0x3c: {  	v15 =	vshll.u32 v21, $0x1;
	vm0 =	vgt.f32 v28, $0.0e+00;
	v19 =	vor.u32 v25, v19  }
0x3d: {  	v21 =	vsel vm0, $0x1000000, v2;
	vm0 =	vmmov vm2;
	[tilespmem:v23+s13+$0x0] =	vst.idx.msk vm1, v19;
	v19 =	vor.u32 $0x3000, v5  }
0x3e: {  	v21 =	vor.u32 v21, v22;
	v22 =	vor.u32 $0x3800, v5  }
0x3f: {  	[tilespmem:v26+s13+$0x0] =	vst.idx.msk vm1, v21;
	v21 =	vor.u32 $0x2880, v5  }
0x40: {  	v23 =	vor.u32 $0x2080, v5;
	v20 =	vld.idx.msk [tilespmem:v20+s4+$0x0], $0xffff  }
0x41: {  	v25 =	vor.u32 $0x3080, v5;
	v17 =	vld.idx.msk [tilespmem:v17+s4+$0x0], $0xffff  }
0x42: {  	v26 =	vor.u32 $0x3880, v5;
	v5 =	vmov v27;
	v19 =	vld.idx.msk [tilespmem:v19+s4+$0x0], $0xffff  }
0x43: {  	v22 =	vld.idx.msk [tilespmem:v22+s4+$0x0], $0xffff  }
0x44: {  	v21 =	vld.idx.msk [tilespmem:v21+s4+$0x0], $0xffff  }
0x45: {  	v23 =	vld.idx.msk [tilespmem:v23+s4+$0x0], $0xffff  }
0x46: {  	v18 =	vor.u32 $0x80, v18;
	vm2 =	vgt.f32 v20, $0.0e+00;
	v20 =	vld.idx.msk [tilespmem:v25+s4+$0x0], $0xffff  }
0x47: {  	v16 =	vor.u32 v16, v18;
	v18 =	vor.u32 v24, v18;
	vm3 =	vgt.f32 v17, $0.0e+00;
	v17 =	vld.idx.msk [tilespmem:v26+s4+$0x0], $0xffff  }
0x48: {  	v24 =	vsel vm2, $0x1, v2;
	v25 =	vsel vm3, $0x100, v2;
	vm2 =	vgt.f32 v19, $0.0e+00  }
0x49: {  	v19 =	vor.u32 v24, v25;
	v24 =	vsel vm2, $0x10000, v2;
	vm2 =	vgt.f32 v22, $0.0e+00  }
0x4a: {  	vm3 =	vgt.f32 v21, $0.0e+00;
	v19 =	vor.u32 v24, v19;
	v21 =	vsel vm2, $0x1000000, v2  }
0x4b: {  	vm2 =	vgt.f32 v23, $0.0e+00;
	v22 =	vsel vm3, $0x100, v2;
	v19 =	vor.u32 v21, v19  }
.Ltmp3:
0x4c: {  	v21 =	vsel vm2, $0x1, v2;
	vm2 =	vgt.f32 v20, $0.0e+00;
	[tilespmem:v16+s13+$0x0] =	vst.idx.msk vm1, v19;
	(pc) =	sbr.rel @p1 .LBB2_3-.Ltmp3, $4  }
0x4d: {  	v16 =	vor.u32 v21, v22;
	v19 =	vsel vm2, $0x10000, v2;
	vm2 =	vgt.f32 v17, $0.0e+00  }
0x4e: {  	v16 =	vor.u32 v19, v16;
	v17 =	vsel vm2, $0x1000000, v2  }
0x4f: {  	v16 =	vor.u32 v17, v16  }
0x50: {  	[tilespmem:v18+s13+$0x0] =	vst.idx.msk vm1, v16  }
0x51: {  	_ =	sdelay $0x3  }
0x52: {  	v13 =	vld.idx.msk [tilespmem:v13+s4+$0x0], $0xffff  }
0x53: {  	v16 =	vld.idx.msk [tilespmem:v5+s4+$0x0], $0xffff  }
0x54: {  	v14 =	vld.idx.msk [tilespmem:v14+s4+$0x0], $0xffff  }
0x55: {  	v11 =	vld.idx.msk [tilespmem:v11+s4+$0x0], $0xffff  }
0x56: {  	v17 =	vor.u32 $0x2800, v5;
	v12 =	vld.idx.msk [tilespmem:v12+s4+$0x0], $0xffff  }
0x57: {  	vm1 =	vlt.u32 v6, $0x7FF;
	v6 =	vand.u32 $0x7E, v7;
	v7 =	vand.u32 $0xFFFFFF00, v15;
	v9 =	vld.idx.msk [tilespmem:v9+s4+$0x0], $0xffff  }
0x58: {  	v15 =	vor.u32 $0x2000, v5;
	v18 =	vor.u32 v6, v7;
	v19 =	vor.u32 $0x1, v6  }
0x59: {  	v10 =	vld.idx.msk [tilespmem:v10+s4+$0x0], $0xffff;
	vm0 =	vmand vm1, vm0;
	v20 =	vor.u32 v19, v7;
	vm1 =	vgt.f32 v14, $0.0e+00  }
0x5a: {  	v8 =	vld.idx.msk [tilespmem:v8+s4+$0x0], $0xffff;
	vm2 =	vgt.f32 v13, $0.0e+00;
	vm3 =	vgt.f32 v16, $0.0e+00;
	v13 =	vsel vm1, $0x100, v2  }
0x5b: {  	vm1 =	vgt.f32 v11, $0.0e+00;
	v11 =	vsel vm2, $0x100, v2;
	vm2 =	vgt.f32 v12, $0.0e+00  }
0x5c: {  	v12 =	vsel vm3, $0x1, v2;
	v14 =	vsel vm1, $0x1, v2;
	vm1 =	vgt.f32 v9, $0.0e+00  }
0x5d: {  	v11 =	vor.u32 v12, v11;
	v9 =	vor.u32 v14, v13;
	v13 =	vsel vm2, $0x10000, v2  }
0x5e: {  	v12 =	vsel vm1, $0x10000, v2;
	vm1 =	vgt.f32 v10, $0.0e+00;
	v10 =	vor.u32 v13, v11  }
0x5f: {  	v9 =	vor.u32 v12, v9;
	v11 =	vsel vm1, $0x1000000, v2;
	vm1 =	vgt.f32 v8, $0.0e+00  }
0x60: {  	v8 =	vor.u32 v11, v10;
	v10 =	vsel vm1, $0x1000000, v2;
	v11 =	vor.u32 $0x3000, v5  }
0x61: {  	[tilespmem:v18+s13+$0x0] =	vst.idx.msk vm0, v8;
	v8 =	vor.u32 v10, v9;
	v9 =	vor.u32 $0x3800, v5  }
0x62: {  	[tilespmem:v20+s13+$0x0] =	vst.idx.msk vm0, v8;
	v8 =	vor.u32 $0x2880, v5  }
0x63: {  	v12 =	vor.u32 $0x2080, v5;
	v10 =	vld.idx.msk [tilespmem:v15+s4+$0x0], $0xffff  }
0x64: {  	v13 =	vld.idx.msk [tilespmem:v17+s4+$0x0], $0xffff  }
0x65: {  	v14 =	vor.u32 $0x3080, v5;
	v11 =	vld.idx.msk [tilespmem:v11+s4+$0x0], $0xffff  }
0x66: {  	v5 =	vor.u32 $0x3880, v5;
	v9 =	vld.idx.msk [tilespmem:v9+s4+$0x0], $0xffff  }
0x67: {  	v7 =	vor.u32 $0x80, v7;
	v8 =	vld.idx.msk [tilespmem:v8+s4+$0x0], $0xffff  }
0x68: {  	v6 =	vor.u32 v6, v7;
	v12 =	vld.idx.msk [tilespmem:v12+s4+$0x0], $0xffff  }
0x69: {  	v7 =	vor.u32 v19, v7;
	vm1 =	vgt.f32 v10, $0.0e+00;
	vm2 =	vgt.f32 v13, $0.0e+00  }
0x6a: {  	s20 =	simm.s32 $0x400;
	v10 =	vld.idx.msk [tilespmem:v14+s4+$0x0], $0xffff;
	v13 =	vsel vm1, $0x1, v2;
	v14 =	vsel vm2, $0x100, v2;
	vm1 =	vgt.f32 v11, $0.0e+00  }
0x6b: {  	v15 =	vor.u32 s20, v0;
	v5 =	vld.idx.msk [tilespmem:v5+s4+$0x0], $0xffff;
	v11 =	vor.u32 v13, v14;
	v13 =	vsel vm1, $0x10000, v2  }
0x6c: {  	vm1 =	vgt.f32 v9, $0.0e+00;
	vm2 =	vgt.f32 v8, $0.0e+00;
	v8 =	vor.u32 v13, v11  }
0x6d: {  	v9 =	vsel vm1, $0x1000000, v2;
	vm1 =	vgt.f32 v12, $0.0e+00;
	v12 =	vadd.s32 s20, v3  }
0x6e: {  	v11 =	vsel vm2, $0x100, v2;
	v8 =	vor.u32 v9, v8;
	v9 =	vsel vm1, $0x1, v2  }
0x6f: {  	vm1 =	vlt.s32 v12, $0x3FF;
	vm2 =	vgt.f32 v10, $0.0e+00;
	v9 =	vor.u32 v9, v11  }
0x70: {  	s19 =	sadd.s32 $0x2, s19;
	v10 =	vnsel vm1, $0x3FF, v12;
	v11 =	vsel vm2, $0x10000, v2;
	vm1 =	vgt.f32 v5, $0.0e+00  }
0x71: {  	p1 =	sge.s32 s19, s3;
	[tilespmem:v6+s13+$0x0] =	vst.idx.msk vm0, v8;
	v8 =	vshll.u32 v15, $0x1;
	v5 =	vshll.u32 v10, $0x1;
	v9 =	vor.u32 v11, v9  }
0x72: {  	s19 =	sadd.s32 @!p1 s5, s19;
	v10 =	vand.u32 $0x7F, v10;
	v11 =	vsel vm1, $0x1000000, v2;
	v5 =	vand.u32 $0x7FFFFF00, v5  }
0x73: {  	s21 =	simm.s32 @!p1 $0x100000;
	s19 =	sshll.u32 @!p1 s19, $0x8;
	vm1 =	vlt.u32 v15, $0x7FF;
	v6 =	vor.u32 v11, v9;
	v5 =	vor.u32 v10, v5  }
0x74: {  	s22 =	simm.s32 @!p1 $0x0;
	s19 =	sadd.s32 @!p1 s6, s19;
	s20 =	simm.s32 @!p1 $0x800;
	[tilespmem:v7+s13+$0x0] =	vst.idx.msk vm0, v6;
	v6 =	vadd.s32 v4, v8;
	v10 =	vor.u32 $0x80, v5;
	v16 =	vadd.s32 $0x800, v5  }
0x75: {  	v9 =	vadd.s32 $0x1000, v5;
	[tilespmem:s22], [sflag:$0x1] =	stream.strided.gather @!p1 [hbm4b:s19+s20], $0x4000, s21, s20, $0x38;
	v13 =	vadd.s32 $0x1080, v5;
	v14 =	vadd.s32 $0x880, v5;
	[tilespmem:$0x18200] =	vst v63  }
0x76: {  	v8 =	vsub.s32 v6, v1;
	v7 =	vadd.s32 $0x1880, v5;
	v12 =	vadd.s32 $0x1800, v5;
	_ =	swait.ge [sflag:s14], $0x4000  }
0x77: {  	vm0 =	vlt.u32 v8, $0x8100;
	v11 =	vshll.u32 v8, $0x1;
	v8 =	vand.u32 $0x7E, v6;
	[sflag:s14] =	ssyncset.done $0x0  }
0x78: {  	v6 =	vand.u32 $0xFFFFFF00, v11;
	vm0 =	vmand vm1, vm0;
	v11 =	vor.u32 $0x1, v8;
	[sflag:s14] =	ssyncadd.s32 $0xFFFFC000  }
0x79: {  	s19 =	simm.s32 $0x410;
	v15 =	vor.u32 v8, v6;
	vm0 =	vmmov vm0;
	v17 =	vld.idx.msk [tilespmem:v16+s15+$0x0], $0xffff;
	v16 =	vor.u32 v11, v6  }
.LBB2_5:
0x7a: {  	p1 =	sne.s32 s19, $0x7F0;
	v18 =	vld.idx.msk [tilespmem:v5+s15+$0x0], $0xffff;
	s20 =	smov.u32 s19;
	s19 =	sadd.s32 $0x10, s19  }
0x7b: {  	_ = 	snop  }
0x7c: {  	v19 =	vadd.s32 s20, v3;
	v20 =	vld.idx.msk [tilespmem:v13+s15+$0x0], $0xffff  }
0x7d: {  	vm1 =	vlt.s32 v19, $0x3FF;
	v14 =	vld.idx.msk [tilespmem:v14+s15+$0x0], $0xffff  }
0x7e: {  	v13 =	vnsel vm1, $0x3FF, v19;
	v19 =	vld.idx.msk [tilespmem:v10+s15+$0x0], $0xffff  }
0x7f: {  	v10 =	vshll.u32 v13, $0x1;
	vm1 =	vgt.f32 v17, $0.0e+00  }
0x80: {  	v13 =	vand.u32 $0x7F, v13;
	v10 =	vand.u32 $0x7FFFFF00, v10;
	vm2 =	vgt.f32 v18, $0.0e+00  }
0x81: {  	v18 =	vsel vm1, $0x100, v2;
	v17 =	vor.u32 v13, v10;
	v13 =	vsel vm2, $0x1, v2;
	v21 =	vld.idx.msk [tilespmem:v9+s15+$0x0], $0xffff  }
0x82: {  	v10 =	vor.u32 $0x80, v17;
	v22 =	vadd.s32 $0x800, v17;
	v18 =	vor.u32 v13, v18;
	v23 =	vld.idx.msk [tilespmem:v12+s15+$0x0], $0xffff  }
0x83: {  	v9 =	vadd.s32 $0x1000, v17;
	v13 =	vadd.s32 $0x1080, v17;
	vm1 =	vgt.f32 v14, $0.0e+00;
	v24 =	vld.idx.msk [tilespmem:v7+s15+$0x0], $0xffff  }
0x84: {  	v14 =	vadd.s32 $0x880, v17;
	v7 =	vadd.s32 $0x1880, v17;
	vm2 =	vgt.f32 v19, $0.0e+00  }
0x85: {  	v19 =	vsel vm1, $0x100, v2;
	vm1 =	vgt.f32 v20, $0.0e+00;
	v12 =	vsel vm2, $0x1, v2  }
0x86: {  	v25 =	vadd.s32 $0x2800, v5;
	v20 =	vsel vm1, $0x10000, v2;
	v19 =	vor.u32 v12, v19  }
0x87: {  	v12 =	vadd.s32 $0x1800, v17;
	vm1 =	vgt.f32 v21, $0.0e+00;
	v19 =	vor.u32 v20, v19  }
0x88: {  	v21 =	vadd.s32 $0x2000, v5;
	v20 =	vsel vm1, $0x10000, v2;
	vm1 =	vgt.f32 v23, $0.0e+00  }
0x89: {  	v18 =	vor.u32 v20, v18;
	v20 =	vsel vm1, $0x1000000, v2;
	vm1 =	vgt.f32 v24, $0.0e+00  }
0x8a: {  	v23 =	vadd.s32 $0x2080, v5;
	v18 =	vor.u32 v20, v18;
	v20 =	vsel vm1, $0x1000000, v2  }
0x8b: {  	v19 =	vor.u32 v20, v19;
	[tilespmem:v15+s13+$0x0] =	vst.idx.msk vm0, v18;
	v15 =	vadd.s32 $0x2880, v5  }
0x8c: {  	[tilespmem:v16+s13+$0x0] =	vst.idx.msk vm0, v19;
	v16 =	vadd.s32 $0x3080, v5  }
0x8d: {  	v19 =	vadd.s32 $0x3000, v5;
	v18 =	vld.idx.msk [tilespmem:v21+s15+$0x0], $0xffff  }
0x8e: {  	v21 =	vadd.s32 $0x3800, v5;
	v20 =	vld.idx.msk [tilespmem:v25+s15+$0x0], $0xffff  }
0x8f: {  	v23 =	vld.idx.msk [tilespmem:v23+s15+$0x0], $0xffff  }
0x90: {  	v24 =	vadd.s32 $0x3880, v5;
	v5 =	vmov v17;
	v15 =	vld.idx.msk [tilespmem:v15+s15+$0x0], $0xffff  }
0x91: {  	v16 =	vld.idx.msk [tilespmem:v16+s15+$0x0], $0xffff  }
0x92: {  	v6 =	vor.u32 $0x80, v6;
	v17 =	vor.u32 s20, v0;
	v19 =	vld.idx.msk [tilespmem:v19+s15+$0x0], $0xffff  }
0x93: {  	v25 =	vshll.u32 v17, $0x1;
	vm1 =	vgt.f32 v18, $0.0e+00;
	v18 =	vld.idx.msk [tilespmem:v21+s15+$0x0], $0xffff;
	v21 =	vor.u32 v11, v6  }
0x94: {  	v8 =	vor.u32 v8, v6;
	v11 =	vadd.s32 v4, v25;
	vm2 =	vgt.f32 v20, $0.0e+00  }
0x95: {  	v20 =	vsel vm1, $0x1, v2;
	v6 =	vsub.s32 v11, v1;
	v25 =	vsel vm2, $0x100, v2;
	v24 =	vld.idx.msk [tilespmem:v24+s15+$0x0], $0xffff  }
0x96: {  	vm1 =	vlt.u32 v6, $0x8100;
	v6 =	vshll.u32 v6, $0x1;
	v20 =	vor.u32 v20, v25  }
0x97: {  	vm2 =	vgt.f32 v23, $0.0e+00;
	vm3 =	vgt.f32 v15, $0.0e+00;
	v6 =	vand.u32 $0xFFFFFF00, v6  }
0x98: {  	v15 =	vsel vm2, $0x1, v2;
	v23 =	vsel vm3, $0x100, v2;
	vm2 =	vgt.f32 v19, $0.0e+00  }
0x99: {  	v15 =	vor.u32 v15, v23;
	v19 =	vsel vm2, $0x10000, v2;
	vm2 =	vgt.f32 v18, $0.0e+00  }
0x9a: {  	vm3 =	vgt.f32 v16, $0.0e+00;
	v18 =	vor.u32 v19, v20;
	v16 =	vsel vm2, $0x1000000, v2  }
.Ltmp4:
0x9b: {  	v19 =	vsel vm3, $0x10000, v2;
	v16 =	vor.u32 v16, v18;
	vm2 =	vgt.f32 v24, $0.0e+00;
	(pc) =	sbr.rel @p1 .LBB2_5-.Ltmp4, $4  }
0x9c: {  	vm3 =	vlt.u32 v17, $0x7FF;
	v15 =	vor.u32 v19, v15;
	v17 =	vsel vm2, $0x1000000, v2;
	[tilespmem:v8+s13+$0x0] =	vst.idx.msk vm0, v16  }
0x9d: {  	vm1 =	vmand vm3, vm1;
	v8 =	vand.u32 $0x7E, v11;
	v16 =	vor.u32 v17, v15  }
0x9e: {  	v15 =	vor.u32 v8, v6;
	v11 =	vor.u32 $0x1, v8;
	[tilespmem:v21+s13+$0x0] =	vst.idx.msk vm0, v16;
	vm0 =	vmmov vm1  }
0x9f: {  	v16 =	vor.u32 v11, v6;
	v17 =	vld.idx.msk [tilespmem:v22+s15+$0x0], $0xffff  }
0xa0: {  	_ =	sdelay $0x3  }
0xa1: {  	v4 =	vld.idx.msk [tilespmem:v5+s15+$0x0], $0xffff  }
0xa2: {  	v14 =	vld.idx.msk [tilespmem:v14+s15+$0x0], $0xffff  }
0xa3: {  	v10 =	vld.idx.msk [tilespmem:v10+s15+$0x0], $0xffff  }
0xa4: {  	v13 =	vld.idx.msk [tilespmem:v13+s15+$0x0], $0xffff  }
0xa5: {  	v12 =	vld.idx.msk [tilespmem:v12+s15+$0x0], $0xffff  }
0xa6: {  	v7 =	vld.idx.msk [tilespmem:v7+s15+$0x0], $0xffff  }
0xa7: {  	vm1 =	vgt.f32 v4, $0.0e+00;
	v4 =	vld.idx.msk [tilespmem:v9+s15+$0x0], $0xffff  }
0xa8: {  	v46 =	vadd.s32 $0x2800, v5;
	vm2 =	vgt.f32 v17, $0.0e+00  }
0xa9: {  	v48 =	vadd.s32 $0x2000, v5;
	v52 =	vadd.s32 $0x2080, v5;
	v17 =	vsel vm2, $0x100, v2  }
0xaa: {  	vm14 =	vgt.f32 v14, $0.0e+00;
	vm15 =	vgt.f32 v10, $0.0e+00;
	vm4 =	vgt.f32 v13, $0.0e+00  }
0xab: {  	vm6 =	vgt.f32 v12, $0.0e+00;
	vm7 =	vgt.f32 v7, $0.0e+00;
	v45 =	vsel vm1, $0x1, v2  }
0xac: {  	v10 =	vsel vm15, $0x1, v2;
	v14 =	vsel vm14, $0x100, v2;
	vm5 =	vgt.f32 v4, $0.0e+00  }
0xad: {  	v13 =	vsel vm4, $0x10000, v2;
	v9 =	vor.u32 v45, v17;
	v47 =	vsel vm5, $0x10000, v2  }
0xae: {  	v49 =	vsel vm6, $0x1000000, v2;
	v10 =	vor.u32 v10, v14;
	v9 =	vor.u32 v47, v9  }
0xaf: {  	v51 =	vsel vm7, $0x1000000, v2;
	v4 =	vor.u32 v13, v10;
	v50 =	vor.u32 v49, v9  }
0xb0: {  	v53 =	vadd.s32 $0x2880, v5;
	v4 =	vor.u32 v51, v4;
	[tilespmem:v15+s13+$0x0] =	vst.idx.msk vm0, v50  }
0xb1: {  	v54 =	vadd.s32 $0x3080, v5;
	[tilespmem:v16+s13+$0x0] =	vst.idx.msk vm0, v4  }
0xb2: {  	v56 =	vadd.s32 $0x3800, v5;
	v12 =	vld.idx.msk [tilespmem:v48+s15+$0x0], $0xffff  }
0xb3: {  	v55 =	vld.idx.msk [tilespmem:v46+s15+$0x0], $0xffff  }
0xb4: {  	v4 =	vadd.s32 $0x3000, v5;
	v10 =	vld.idx.msk [tilespmem:v52+s15+$0x0], $0xffff  }
0xb5: {  	v7 =	vld.idx.msk [tilespmem:v53+s15+$0x0], $0xffff  }
0xb6: {  	v5 =	vadd.s32 $0x3880, v5;
	v9 =	vld.idx.msk [tilespmem:v54+s15+$0x0], $0xffff  }
0xb7: {  	v57 =	vld.idx.msk [tilespmem:v56+s15+$0x0], $0xffff;
	_ =	sdelay $0x1  }
0xb8: {  	v6 =	vor.u32 $0x80, v6;
	v4 =	vld.idx.msk [tilespmem:v4+s15+$0x0], $0xffff  }
0xb9: {  	v11 =	vor.u32 v11, v6;
	v6 =	vor.u32 v8, v6  }
0xba: {  	v5 =	vld.idx.msk [tilespmem:v5+s15+$0x0], $0xffff;
	vm8 =	vgt.f32 v12, $0.0e+00;
	vm9 =	vgt.f32 v55, $0.0e+00;
	vm10 =	vgt.f32 v10, $0.0e+00  }
0xbb: {  	vm11 =	vgt.f32 v7, $0.0e+00;
	vm13 =	vgt.f32 v57, $0.0e+00;
	vm14 =	vgt.f32 v9, $0.0e+00  }
0xbc: {  	s18 =	sadd.s32 $0x1, s18;
	v58 =	vsel vm8, $0x1, v2;
	v13 =	vsel vm9, $0x100, v2;
	v59 =	vsel vm10, $0x1, v2  }
0xbd: {  	p1 =	slt.s32 s18, s2;
	v60 =	vsel vm11, $0x100, v2;
	v62 =	vsel vm13, $0x1000000, v2;
	vm12 =	vgt.f32 v4, $0.0e+00  }
.Ltmp5:
0xbe: {  	v9 =	vsel vm14, $0x10000, v2;
	v4 =	vor.u32 v58, v13;
	v61 =	vsel vm12, $0x10000, v2;
	(pc) =	sbr.rel @p1 .LBB2_2-.Ltmp5, $4  }
.Ltmp6:
0xbf: {  	v7 =	vor.u32 v59, v60;
	vm15 =	vgt.f32 v5, $0.0e+00;
	v4 =	vor.u32 v61, v4;
	(pc) =	sbr.rel @!p1 .LBB2_7-.Ltmp6, $4  }
0xc0: {  	v5 =	vor.u32 v9, v7;
	v63 =	vsel vm15, $0x1000000, v2;
	v4 =	vor.u32 v62, v4  }
0xc1: {  	[tilespmem:v6+s13+$0x0] =	vst.idx.msk vm0, v4;
	v4 =	vor.u32 v63, v5  }
0xc2: {  	[tilespmem:v11+s13+$0x0] =	vst.idx.msk vm0, v4  }
0xc3: {  	_ = 	snop  }
.LBB2_8:
0xc4: {  	_ =	sfence.sel $0x180000  }
0xc5: {  	[bflag:$0x0] =	sbarrier.arrive $0xFFFF  }
0xc6: {  	p0 =	sne.s32 s0, $0x0;
	_ =	strace $0x90000047  }
0xc7: {  	s0 =	sadd.s32 @!p0 $0x100000, s1;
	[bflag:$0x2] =	sbarrier.arrive $0xFFFF  }
0xc8: {  	[sflag:s0] =	ssyncadd.tile.s32 @!p0 $0x1;
	_ =	shalt  }
.Lfunc_end2:
_tile_overlayer_lowered:
.L_overlay_start_2:
0xc9: {  	(tag) =	ssettag $0x2  }
0xca: {  	s0 =	rddreg [dreg:$0x0];
	s2 =	stileid.u32  }
0xcb: {  	s1 =	rddreg [dreg:$0x1];
	p0 =	sne.s32 s2, $0x0  }
0xcc: {  	s3 =	rddreg [dreg:$0x2];
	[bflag:$0x3] =	sbarrier.arrive $0xFFFF;
	s2 =	simm.s32 @!p0 $0x1C04  }
0xcd: {  	[timem:s3], [sflag:s2] =	dma.local @!p0 [hbm:s0], s1  }
0xce: {  	s0 =	simm.s32 @!p0 $0x4  }
0xcf: {  	_ =	swait.ge @!p0 [sflag:s0], s1  }
0xd0: {  	s1 =	ssub.s32 @!p0 $0x0, s1;
	[sflag:s0] =	ssyncset.done @!p0 $0x0  }
0xd1: {  	[sflag:s0] =	ssyncadd.s32 @!p0 s1  }
0xd2: {  	[bflag:$0x3] =	sbarrier.arrive $0xFFFF  }
0xd3: {  	_ =	shalt  }

</sc_bundles>
